<compile_context>
chip_gen: v7x
topology: tpu7x:2x2x1
jax: 0.10.2.dev20260603
libtpu: 0.0.44.dev20260713+nightly
codegen_flags: <defaults>
</compile_context>

<pallas_src>
import functools

import jax
import jax.numpy as jnp
from jax import lax
from jax.experimental import pallas as pl
from jax.experimental.pallas import tpu as pltpu
from jax.experimental.pallas import tpu_sc as plsc

_B = 8
_K = 2048
_D = 3
_L = 16
_NW = 32
_WPB = _NW // _B
_QPW = _K // _WPB
_R2 = 1.1 * 1.1
_MIN_CNT = 2.5
_GPB = 4
_NBLK = _K // (_L * _GPB)


_GATHER_DNUMS = lax.GatherDimensionNumbers(
    offset_dims=(), collapsed_slice_dims=(0,), start_index_map=(0,))


def _lane_min(v):
    lane = lax.iota(jnp.int32, _L)
    s = v
    for sh in (8, 4, 2, 1):
        idx = (lane + sh) & (_L - 1)
        s = jnp.minimum(s, lax.gather(s, idx[:, None], _GATHER_DNUMS, (1,),
                                      mode=lax.GatherScatterMode.PROMISE_IN_BOUNDS))
    return s


def _bf16_round(v):
    u = lax.bitcast_convert_type(v, jnp.uint32)
    lsb = lax.shift_right_logical(u, jnp.uint32(16)) & jnp.uint32(1)
    r = (u + jnp.uint32(0x7FFF) + lsb) & jnp.uint32(0xFFFF0000)
    return lax.bitcast_convert_type(r, jnp.float32)


def _ror_body(xt_hbm, out_hbm, keys_v, keysb_v, sqk_v, out_v, cnt_v):
    c = lax.axis_index("c")
    s = lax.axis_index("s")
    wid = s * 2 + c
    b = wid // _WPB
    qq = wid % _WPB

    pltpu.sync_copy(xt_hbm.at[b], keys_v)

    def sq_body(j, _):
        off = j * _L
        kx = keys_v[0, pl.ds(off, _L)]
        ky = keys_v[1, pl.ds(off, _L)]
        kz = keys_v[2, pl.ds(off, _L)]
        sqk_v[pl.ds(off, _L)] = (kx * kx + ky * ky) + kz * kz
        keysb_v[0, pl.ds(off, _L)] = _bf16_round(kx)
        keysb_v[1, pl.ds(off, _L)] = _bf16_round(ky)
        keysb_v[2, pl.ds(off, _L)] = _bf16_round(kz)
        return 0

    lax.fori_loop(0, _K // _L, sq_body, 0, unroll=False)

    def q_body(i, _):
        v = qq + _WPB * i
        qoff = v * _L
        qxm = -2.0 * keysb_v[0, pl.ds(qoff, _L)]
        qym = -2.0 * keysb_v[1, pl.ds(qoff, _L)]
        qzm = -2.0 * keysb_v[2, pl.ds(qoff, _L)]
        sqq = sqk_v[pl.ds(qoff, _L)]

        def k_body(j, cnt):
            off = ((v + j) & (_K // _L - 1)) * _L
            kxv = keysb_v[0, pl.ds(off, _L)]
            kyv = keysb_v[1, pl.ds(off, _L)]
            kzv = keysb_v[2, pl.ds(off, _L)]
            sqv = sqk_v[pl.ds(off, _L)]
            for u in range(_L):
                kx = jnp.full((_L,), kxv[u], jnp.float32)
                ky = jnp.full((_L,), kyv[u], jnp.float32)
                kz = jnp.full((_L,), kzv[u], jnp.float32)
                sqk = jnp.full((_L,), sqv[u], jnp.float32)
                p2 = (qxm * kx + qym * ky) + qzm * kz
                d2 = (sqq + sqk) + p2
                cnt = cnt + jnp.where(d2 <= _R2, 1.0, 0.0)
            return cnt

        cnt_v[...] = jnp.zeros((_L,), jnp.float32)

        def blk_body(t, _):
            cnt0 = cnt_v[...]

            @pl.when(_lane_min(cnt0)[0] < _MIN_CNT)
            def _scan():
                cnt_v[...] = lax.fori_loop(t * _GPB, (t + 1) * _GPB,
                                           k_body, cnt0, unroll=False)

            return 0

        lax.fori_loop(0, _NBLK, blk_body, 0, unroll=False)
        keep = cnt_v[...] >= _MIN_CNT
        out_v[pl.ds(i * _L, _L)] = jnp.where(keep, 1.0, 0.0)
        return 0

    lax.fori_loop(0, _QPW // _L, q_body, 0, unroll=False)

    pltpu.sync_copy(out_v, out_hbm.at[b, qq])


@jax.jit
def kernel(x):
    nrm = jnp.sum(x * x, axis=-1)
    order = jnp.argsort(nrm, axis=1)
    xs = jnp.take_along_axis(x, order[:, :, None], axis=1)
    xt = jnp.transpose(xs, (0, 2, 1))
    run = functools.partial(
        pl.kernel,
        out_type=jax.ShapeDtypeStruct((_B, _WPB, _QPW), jnp.float32),
        mesh=plsc.VectorSubcoreMesh(core_axis_name="c", subcore_axis_name="s"),
        scratch_types=[
            pltpu.VMEM((_D, _K), jnp.float32),
            pltpu.VMEM((_D, _K), jnp.float32),
            pltpu.VMEM((_K,), jnp.float32),
            pltpu.VMEM((_QPW,), jnp.float32),
            pltpu.VMEM((_L,), jnp.float32),
        ],
    )(_ror_body)
    mask = run(xt)
    m = mask.reshape(_B, _WPB, _QPW // _L, _L)
    m = jnp.transpose(m, (0, 2, 1, 3)).reshape(_B, _K)
    rank = jnp.argsort(order, axis=1)
    m = jnp.take_along_axis(m, rank, axis=1)
    return x * m[:, :, None]

# --- scband reference (transcript-rebuilt; emitter-appended) ---
"""Pipeline reference for scband-rordefense-41369124995198 (READ-ONLY COPY).

The authoritative reference and input builder live on the scoring server;
editing this copy changes nothing except your own understanding.
"""

import jax, jax.numpy as jnp
import numpy as np

N_PTS = 2      # nb_points: minimum number of neighbors within radius
RADIUS = 1.1   # radius for outlier removal


def setup_inputs(seed: int = 0) -> dict:
    key = jax.random.key(seed)
    x = jax.random.normal(key, (8, 2048, 3), dtype=jnp.float32)
    return {"x": x}


def reference(x):
    # Faithful JAX translation of RORDefense.forward:
    # radius-outlier removal -- for each point count neighbors within RADIUS;
    # points with fewer than N_PTS neighbors are removed. Since JAX requires
    # static shapes, removed points are zero-masked instead of dropped; the
    # boolean mask encodes the variable-length selection of the original.
    pc = jax.lax.stop_gradient(x)  # mirrors torch.no_grad() + clone().detach()
    B, K, _ = pc.shape
    # squared pairwise distances via the |a|^2 + |b|^2 - 2 a.b expansion
    sq = jnp.sum(pc * pc, axis=-1)                      # [B, K]
    inner = jnp.einsum('bid,bjd->bij', pc, pc)          # [B, K, K]
    d2 = sq[:, :, None] + sq[:, None, :] - 2.0 * inner  # [B, K, K]
    d2 = jnp.maximum(d2, 0.0)
    eye = jnp.eye(K, dtype=bool)[None, :, :]
    within = (d2 <= RADIUS * RADIUS) & (~eye)           # exclude self
    counts = jnp.sum(within.astype(jnp.int32), axis=-1)  # [B, K]
    mask = counts >= N_PTS                              # [B, K] keep-mask
    new_pc = pc * mask[..., None].astype(pc.dtype)      # [B, K, 3]
    return new_pc

if __name__ == "__main__":
    import jax
    _d = setup_inputs()
    print(jax.jit(kernel)(*tuple(_d.values())))

</pallas_src>

<mosaic_0001>
#map = affine_map<(d0, d1) -> (0, 0, 0)>
module attributes {stable_mosaic.version = 14 : i64} {
  func.func @_ror_body(%arg0: i32, %arg1: i32, %arg2: memref<8x3x2048xf32, #tpu.memory_space<hbm>>, %arg3: memref<8x4x512xf32, #tpu.memory_space<hbm>>, %arg4: memref<3x2048xf32, #tpu.memory_space<vmem>>, %arg5: memref<3x2048xf32, #tpu.memory_space<vmem>>, %arg6: memref<2048xf32, #tpu.memory_space<vmem>>, %arg7: memref<512xf32, #tpu.memory_space<vmem>>, %arg8: memref<16xf32, #tpu.memory_space<vmem>>) attributes {dimension_semantics = [#tpu.dimension_semantics<core_parallel>, #tpu.dimension_semantics<subcore_parallel>], iteration_bounds = array<i64: 2, 16>, scalar_prefetch = 0 : i64, scratch_operands = 5 : i64, tpu.core_type = #tpu.core_type<sc_vector_subcore>, window_params = [{transform_indices = #map}, {transform_indices = #map}]} {
    %mul3A = arith.constant 2 : i32
    %mul3A_0 = arith.muli %arg1, %mul3A : i32
    %add3A = arith.addi %mul3A_0, %arg0 : i32
    %jit3A = arith.constant 4 : i32
    %div3A = arith.divsi %add3A, %jit3A : i32
    %sign3A = arith.constant 0 : i32
    %sign3A_1 = arith.cmpi sgt, %add3A, %sign3A : i32
    %sign3A_2 = arith.extui %sign3A_1 : i1 to i32
    %sign3A_3 = arith.constant 0 : i32
    %sign3A_4 = arith.cmpi slt, %add3A, %sign3A_3 : i32
    %sign3A_5 = arith.extui %sign3A_4 : i1 to i32
    %sign3A_6 = arith.subi %sign3A_2, %sign3A_5 : i32
    %sign3A_7 = arith.constant 0 : i32
    %sign3A_8 = arith.cmpi sgt, %jit3A, %sign3A_7 : i32
    %sign3A_9 = arith.extui %sign3A_8 : i1 to i32
    %sign3A_10 = arith.constant 0 : i32
    %sign3A_11 = arith.cmpi slt, %jit3A, %sign3A_10 : i32
    %sign3A_12 = arith.extui %sign3A_11 : i1 to i32
    %sign3A_13 = arith.subi %sign3A_9, %sign3A_12 : i32
    %ne3A = arith.cmpi ne, %sign3A_6, %sign3A_13 : i32
    %rem3A = arith.remsi %add3A, %jit3A : i32
    %ne3A_14 = arith.constant 0 : i32
    %ne3A_15 = arith.cmpi ne, %rem3A, %ne3A_14 : i32
    %and3A = arith.andi %ne3A, %ne3A_15 : i1
    %sub3A = arith.constant 1 : i32
    %sub3A_16 = arith.subi %div3A, %sub3A : i32
    %select_n3A = arith.select %and3A, %sub3A_16, %div3A : i32
    %jit3A_17 = arith.constant 4 : i32
    %eq3A = arith.constant 0 : i32
    %eq3A_18 = arith.cmpi eq, %jit3A_17, %eq3A : i32
    %jit3A_19 = arith.constant 1 : i32
    %select_n3A_20 = arith.select %eq3A_18, %jit3A_19, %jit3A_17 : i32
    %rem3A_21 = arith.remsi %add3A, %select_n3A_20 : i32
    %ne3A_22 = arith.constant 0 : i32
    %ne3A_23 = arith.cmpi ne, %rem3A_21, %ne3A_22 : i32
    %lt3A = arith.constant 0 : i32
    %lt3A_24 = arith.cmpi slt, %rem3A_21, %lt3A : i32
    %lt3A_25 = arith.constant 0 : i32
    %lt3A_26 = arith.cmpi slt, %select_n3A_20, %lt3A_25 : i32
    %ne3A_27 = arith.xori %lt3A_24, %lt3A_26 : i1
    %and3A_28 = arith.andi %ne3A_27, %ne3A_23 : i1
    %add3A_29 = arith.addi %rem3A_21, %select_n3A_20 : i32
    %select_n3A_30 = arith.select %and3A_28, %add3A_29, %rem3A_21 : i32
    "tpu.region"() ({
      %run_scoped3A = tpu.sem_alloc : memref<!tpu.dma_semaphore, #tpu.memory_space<semaphore_mem>>
      %dma_start3A = arith.constant 0 : i32
      %dma_start3A_44 = arith.constant 0 : i32
      %dma_start3A_45 = tpu.memref_slice %arg2[%select_n3A, %dma_start3A, %dma_start3A_44] : memref<8x3x2048xf32, #tpu.memory_space<hbm>> -> memref<1x3x2048xf32, #tpu.memory_space<hbm>>
      %dma_start3A_46 = tpu.memref_squeeze %dma_start3A_45 : memref<1x3x2048xf32, #tpu.memory_space<hbm>> -> memref<3x2048xf32, #tpu.memory_space<hbm>>
      %dma_start3A_47 = arith.constant 0 : i32
      %dma_start3A_48 = arith.constant 0 : i32
      %dma_start3A_49 = tpu.memref_slice %arg2[%select_n3A, %dma_start3A_47, %dma_start3A_48] : memref<8x3x2048xf32, #tpu.memory_space<hbm>> -> memref<1x3x2048xf32, #tpu.memory_space<hbm>>
      %dma_start3A_50 = tpu.memref_squeeze %dma_start3A_49 : memref<1x3x2048xf32, #tpu.memory_space<hbm>> -> memref<3x2048xf32, #tpu.memory_space<hbm>>
      tpu.enqueue_dma source(%dma_start3A_50 : memref<3x2048xf32, #tpu.memory_space<hbm>>) target(%arg4 : memref<3x2048xf32, #tpu.memory_space<vmem>>) target_semaphore(%run_scoped3A : memref<!tpu.dma_semaphore, #tpu.memory_space<semaphore_mem>>)
      %dma_wait3A = arith.constant 0 : i32
      %dma_wait3A_51 = arith.constant 0 : i32
      %dma_wait3A_52 = tpu.memref_slice %arg2[%select_n3A, %dma_wait3A, %dma_wait3A_51] : memref<8x3x2048xf32, #tpu.memory_space<hbm>> -> memref<1x3x2048xf32, #tpu.memory_space<hbm>>
      %dma_wait3A_53 = tpu.memref_squeeze %dma_wait3A_52 : memref<1x3x2048xf32, #tpu.memory_space<hbm>> -> memref<3x2048xf32, #tpu.memory_space<hbm>>
      %dma_wait3A_54 = arith.constant 0 : i32
      %dma_wait3A_55 = arith.constant 0 : i32
      %dma_wait3A_56 = tpu.memref_slice %arg2[%select_n3A, %dma_wait3A_54, %dma_wait3A_55] : memref<8x3x2048xf32, #tpu.memory_space<hbm>> -> memref<1x3x2048xf32, #tpu.memory_space<hbm>>
      %dma_wait3A_57 = tpu.memref_squeeze %dma_wait3A_56 : memref<1x3x2048xf32, #tpu.memory_space<hbm>> -> memref<3x2048xf32, #tpu.memory_space<hbm>>
      tpu.wait_dma2 semaphore(%run_scoped3A : memref<!tpu.dma_semaphore, #tpu.memory_space<semaphore_mem>>) src(%dma_wait3A_57 : memref<3x2048xf32, #tpu.memory_space<hbm>>) dst(%arg4 : memref<3x2048xf32, #tpu.memory_space<vmem>>)
      tpu.yield
    }) : () -> ()
    %scan3A = arith.constant 0 : i32
    %scan3A_31 = arith.constant 0 : i32
    %scan3A_32 = arith.constant 128 : i32
    %scan3A_33 = arith.addi %scan3A_31, %scan3A_32 : i32
    %scan3A_34 = arith.constant 1 : i32
    %scan3A_35 = scf.for %scan3A_44 = %scan3A_31 to %scan3A_33 step %scan3A_34 iter_args(%scan3A_45 = %scan3A) -> (i32)  : i32 {
      %mul3A_46 = arith.constant 16 : i32
      %mul3A_47 = arith.muli %scan3A_44, %mul3A_46 : i32
      %get3A = arith.constant 0 : i32
      %get3A_48 = arith.index_cast %get3A : i32 to index
      %get3A_49 = arith.index_cast %mul3A_47 : i32 to index
      %get3A_50 = tpu.vector_load %arg4[%get3A_48, %get3A_49] {strides = array<i32>} : memref<3x2048xf32, #tpu.memory_space<vmem>>, vector<1x16xf32>,
      %get3A_51 = vector.shape_cast %get3A_50 : vector<1x16xf32> to vector<16xf32>
      %get3A_52 = arith.constant 1 : i32
      %get3A_53 = arith.index_cast %get3A_52 : i32 to index
      %get3A_54 = arith.index_cast %mul3A_47 : i32 to index
      %get3A_55 = tpu.vector_load %arg4[%get3A_53, %get3A_54] {strides = array<i32>} : memref<3x2048xf32, #tpu.memory_space<vmem>>, vector<1x16xf32>,
      %get3A_56 = vector.shape_cast %get3A_55 : vector<1x16xf32> to vector<16xf32>
      %get3A_57 = arith.constant 2 : i32
      %get3A_58 = arith.index_cast %get3A_57 : i32 to index
      %get3A_59 = arith.index_cast %mul3A_47 : i32 to index
      %get3A_60 = tpu.vector_load %arg4[%get3A_58, %get3A_59] {strides = array<i32>} : memref<3x2048xf32, #tpu.memory_space<vmem>>, vector<1x16xf32>,
      %get3A_61 = vector.shape_cast %get3A_60 : vector<1x16xf32> to vector<16xf32>
      %mul3A_62 = arith.mulf %get3A_51, %get3A_51 : vector<16xf32>
      %mul3A_63 = arith.mulf %get3A_56, %get3A_56 : vector<16xf32>
      %add3A_64 = arith.addf %mul3A_62, %mul3A_63 : vector<16xf32>
      %mul3A_65 = arith.mulf %get3A_61, %get3A_61 : vector<16xf32>
      %add3A_66 = arith.addf %add3A_64, %mul3A_65 : vector<16xf32>
      %swap3A = arith.index_cast %mul3A_47 : i32 to index
      %swap3A_67 = tpu.vector_load %arg6[%swap3A] {strides = array<i32>} : memref<2048xf32, #tpu.memory_space<vmem>>, vector<16xf32>,
      %swap3A_68 = vector.shape_cast %swap3A_67 : vector<16xf32> to vector<16xf32>
      %swap3A_69 = vector.shape_cast %add3A_66 : vector<16xf32> to vector<16xf32>
      tpu.vector_store %arg6[%swap3A], %swap3A_69 {strides = array<i32>} : memref<2048xf32, #tpu.memory_space<vmem>>, vector<16xf32>,
      %bitcast_convert_type3A = tpu.bitcast %get3A_51 : vector<16xf32> -> vector<16xi32>
      %shift_right_logical3A = arith.constant 16 : i32
      %shift_right_logical3A_70 = vector.broadcast %shift_right_logical3A : i32 to vector<16xi32>
      %shift_right_logical3A_71 = arith.shrui %bitcast_convert_type3A, %shift_right_logical3A_70 : vector<16xi32>
      %and3A_72 = arith.constant 1 : i32
      %and3A_73 = vector.broadcast %and3A_72 : i32 to vector<16xi32>
      %and3A_74 = arith.andi %shift_right_logical3A_71, %and3A_73 : vector<16xi32>
      %add3A_75 = arith.constant 32767 : i32
      %add3A_76 = vector.broadcast %add3A_75 : i32 to vector<16xi32>
      %add3A_77 = arith.addi %bitcast_convert_type3A, %add3A_76 : vector<16xi32>
      %add3A_78 = arith.addi %add3A_77, %and3A_74 : vector<16xi32>
      %and3A_79 = arith.constant -65536 : i32
      %and3A_80 = vector.broadcast %and3A_79 : i32 to vector<16xi32>
      %and3A_81 = arith.andi %add3A_78, %and3A_80 : vector<16xi32>
      %bitcast_convert_type3A_82 = tpu.bitcast %and3A_81 : vector<16xi32> -> vector<16xf32>
      %swap3A_83 = arith.constant 0 : i32
      %swap3A_84 = arith.index_cast %swap3A_83 : i32 to index
      %swap3A_85 = arith.index_cast %mul3A_47 : i32 to index
      %swap3A_86 = tpu.vector_load %arg5[%swap3A_84, %swap3A_85] {strides = array<i32>} : memref<3x2048xf32, #tpu.memory_space<vmem>>, vector<1x16xf32>,
      %swap3A_87 = vector.shape_cast %swap3A_86 : vector<1x16xf32> to vector<16xf32>
      %swap3A_88 = vector.shape_cast %bitcast_convert_type3A_82 : vector<16xf32> to vector<1x16xf32>
      tpu.vector_store %arg5[%swap3A_84, %swap3A_85], %swap3A_88 {strides = array<i32>} : memref<3x2048xf32, #tpu.memory_space<vmem>>, vector<1x16xf32>,
      %bitcast_convert_type3A_89 = tpu.bitcast %get3A_56 : vector<16xf32> -> vector<16xi32>
      %shift_right_logical3A_90 = arith.constant 16 : i32
      %shift_right_logical3A_91 = vector.broadcast %shift_right_logical3A_90 : i32 to vector<16xi32>
      %shift_right_logical3A_92 = arith.shrui %bitcast_convert_type3A_89, %shift_right_logical3A_91 : vector<16xi32>
      %and3A_93 = arith.constant 1 : i32
      %and3A_94 = vector.broadcast %and3A_93 : i32 to vector<16xi32>
      %and3A_95 = arith.andi %shift_right_logical3A_92, %and3A_94 : vector<16xi32>
      %add3A_96 = arith.constant 32767 : i32
      %add3A_97 = vector.broadcast %add3A_96 : i32 to vector<16xi32>
      %add3A_98 = arith.addi %bitcast_convert_type3A_89, %add3A_97 : vector<16xi32>
      %add3A_99 = arith.addi %add3A_98, %and3A_95 : vector<16xi32>
      %and3A_100 = arith.constant -65536 : i32
      %and3A_101 = vector.broadcast %and3A_100 : i32 to vector<16xi32>
      %and3A_102 = arith.andi %add3A_99, %and3A_101 : vector<16xi32>
      %bitcast_convert_type3A_103 = tpu.bitcast %and3A_102 : vector<16xi32> -> vector<16xf32>
      %swap3A_104 = arith.constant 1 : i32
      %swap3A_105 = arith.index_cast %swap3A_104 : i32 to index
      %swap3A_106 = arith.index_cast %mul3A_47 : i32 to index
      %swap3A_107 = tpu.vector_load %arg5[%swap3A_105, %swap3A_106] {strides = array<i32>} : memref<3x2048xf32, #tpu.memory_space<vmem>>, vector<1x16xf32>,
      %swap3A_108 = vector.shape_cast %swap3A_107 : vector<1x16xf32> to vector<16xf32>
      %swap3A_109 = vector.shape_cast %bitcast_convert_type3A_103 : vector<16xf32> to vector<1x16xf32>
      tpu.vector_store %arg5[%swap3A_105, %swap3A_106], %swap3A_109 {strides = array<i32>} : memref<3x2048xf32, #tpu.memory_space<vmem>>, vector<1x16xf32>,
      %bitcast_convert_type3A_110 = tpu.bitcast %get3A_61 : vector<16xf32> -> vector<16xi32>
      %shift_right_logical3A_111 = arith.constant 16 : i32
      %shift_right_logical3A_112 = vector.broadcast %shift_right_logical3A_111 : i32 to vector<16xi32>
      %shift_right_logical3A_113 = arith.shrui %bitcast_convert_type3A_110, %shift_right_logical3A_112 : vector<16xi32>
      %and3A_114 = arith.constant 1 : i32
      %and3A_115 = vector.broadcast %and3A_114 : i32 to vector<16xi32>
      %and3A_116 = arith.andi %shift_right_logical3A_113, %and3A_115 : vector<16xi32>
      %add3A_117 = arith.constant 32767 : i32
      %add3A_118 = vector.broadcast %add3A_117 : i32 to vector<16xi32>
      %add3A_119 = arith.addi %bitcast_convert_type3A_110, %add3A_118 : vector<16xi32>
      %add3A_120 = arith.addi %add3A_119, %and3A_116 : vector<16xi32>
      %and3A_121 = arith.constant -65536 : i32
      %and3A_122 = vector.broadcast %and3A_121 : i32 to vector<16xi32>
      %and3A_123 = arith.andi %add3A_120, %and3A_122 : vector<16xi32>
      %bitcast_convert_type3A_124 = tpu.bitcast %and3A_123 : vector<16xi32> -> vector<16xf32>
      %swap3A_125 = arith.constant 2 : i32
      %swap3A_126 = arith.index_cast %swap3A_125 : i32 to index
      %swap3A_127 = arith.index_cast %mul3A_47 : i32 to index
      %swap3A_128 = tpu.vector_load %arg5[%swap3A_126, %swap3A_127] {strides = array<i32>} : memref<3x2048xf32, #tpu.memory_space<vmem>>, vector<1x16xf32>,
      %swap3A_129 = vector.shape_cast %swap3A_128 : vector<1x16xf32> to vector<16xf32>
      %swap3A_130 = vector.shape_cast %bitcast_convert_type3A_124 : vector<16xf32> to vector<1x16xf32>
      tpu.vector_store %arg5[%swap3A_126, %swap3A_127], %swap3A_130 {strides = array<i32>} : memref<3x2048xf32, #tpu.memory_space<vmem>>, vector<1x16xf32>,
      %scan3A_131 = arith.constant 0 : i32
      scf.yield %scan3A_131 : i32
    }
    %scan3A_36 = arith.constant 128 : i32
    %scan3A_37 = arith.constant 0 : i32
    %scan3A_38 = arith.constant 0 : i32
    %scan3A_39 = arith.constant 32 : i32
    %scan3A_40 = arith.addi %scan3A_38, %scan3A_39 : i32
    %scan3A_41 = arith.constant 1 : i32
    %scan3A_42 = scf.for %scan3A_44 = %scan3A_38 to %scan3A_40 step %scan3A_41 iter_args(%scan3A_45 = %scan3A_37) -> (i32)  : i32 {
      %mul3A_46 = arith.constant 4 : i32
      %mul3A_47 = arith.muli %mul3A_46, %scan3A_44 : i32
      %add3A_48 = arith.addi %select_n3A_30, %mul3A_47 : i32
      %mul3A_49 = arith.constant 16 : i32
      %mul3A_50 = arith.muli %add3A_48, %mul3A_49 : i32
      %get3A = arith.constant 0 : i32
      %get3A_51 = arith.index_cast %get3A : i32 to index
      %get3A_52 = arith.index_cast %mul3A_50 : i32 to index
      %get3A_53 = tpu.vector_load %arg5[%get3A_51, %get3A_52] {strides = array<i32>} : memref<3x2048xf32, #tpu.memory_space<vmem>>, vector<1x16xf32>,
      %get3A_54 = vector.shape_cast %get3A_53 : vector<1x16xf32> to vector<16xf32>
      %mul3A_55 = arith.constant -2.000000e+00 : f32
      %mul3A_56 = vector.broadcast %mul3A_55 : f32 to vector<16xf32>
      %mul3A_57 = arith.mulf %mul3A_56, %get3A_54 : vector<16xf32>
      %get3A_58 = arith.constant 1 : i32
      %get3A_59 = arith.index_cast %get3A_58 : i32 to index
      %get3A_60 = arith.index_cast %mul3A_50 : i32 to index
      %get3A_61 = tpu.vector_load %arg5[%get3A_59, %get3A_60] {strides = array<i32>} : memref<3x2048xf32, #tpu.memory_space<vmem>>, vector<1x16xf32>,
      %get3A_62 = vector.shape_cast %get3A_61 : vector<1x16xf32> to vector<16xf32>
      %mul3A_63 = arith.constant -2.000000e+00 : f32
      %mul3A_64 = vector.broadcast %mul3A_63 : f32 to vector<16xf32>
      %mul3A_65 = arith.mulf %mul3A_64, %get3A_62 : vector<16xf32>
      %get3A_66 = arith.constant 2 : i32
      %get3A_67 = arith.index_cast %get3A_66 : i32 to index
      %get3A_68 = arith.index_cast %mul3A_50 : i32 to index
      %get3A_69 = tpu.vector_load %arg5[%get3A_67, %get3A_68] {strides = array<i32>} : memref<3x2048xf32, #tpu.memory_space<vmem>>, vector<1x16xf32>,
      %get3A_70 = vector.shape_cast %get3A_69 : vector<1x16xf32> to vector<16xf32>
      %mul3A_71 = arith.constant -2.000000e+00 : f32
      %mul3A_72 = vector.broadcast %mul3A_71 : f32 to vector<16xf32>
      %mul3A_73 = arith.mulf %mul3A_72, %get3A_70 : vector<16xf32>
      %get3A_74 = arith.index_cast %mul3A_50 : i32 to index
      %get3A_75 = tpu.vector_load %arg6[%get3A_74] {strides = array<i32>} : memref<2048xf32, #tpu.memory_space<vmem>>, vector<16xf32>,
      %get3A_76 = vector.shape_cast %get3A_75 : vector<16xf32> to vector<16xf32>
      %broadcast_in_dim3A = arith.constant 0.000000e+00 : f32
      %broadcast_in_dim3A_77 = vector.broadcast %broadcast_in_dim3A : f32 to vector<16xf32>
      %swap3A = arith.constant 0 : index
      %swap3A_78 = tpu.vector_load %arg8[%swap3A] {strides = array<i32>} : memref<16xf32, #tpu.memory_space<vmem>>, vector<16xf32>,
      %swap3A_79 = vector.shape_cast %swap3A_78 : vector<16xf32> to vector<16xf32>
      %swap3A_80 = vector.shape_cast %broadcast_in_dim3A_77 : vector<16xf32> to vector<16xf32>
      tpu.vector_store %arg8[%swap3A], %swap3A_80 {strides = array<i32>} : memref<16xf32, #tpu.memory_space<vmem>>, vector<16xf32>,
      %scan3A_81 = arith.constant 0 : i32
      %scan3A_82 = arith.constant 0 : i32
      %scan3A_83 = arith.constant 32 : i32
      %scan3A_84 = arith.addi %scan3A_82, %scan3A_83 : i32
      %scan3A_85 = arith.constant 1 : i32
      %scan3A_86 = scf.for %scan3A_105 = %scan3A_82 to %scan3A_84 step %scan3A_85 iter_args(%scan3A_106 = %scan3A_81) -> (i32)  : i32 {
        %get3A_107 = arith.constant 0 : index
        %get3A_108 = tpu.vector_load %arg8[%get3A_107] {strides = array<i32>} : memref<16xf32, #tpu.memory_space<vmem>>, vector<16xf32>,
        %get3A_109 = vector.shape_cast %get3A_108 : vector<16xf32> to vector<16xf32>
        %iota3A = tpu.iota {dimensions = array<i32: 0>} : vector<16xi32>
        %add3A_110 = arith.constant 8 : i32
        %add3A_111 = vector.broadcast %add3A_110 : i32 to vector<16xi32>
        %add3A_112 = arith.addi %iota3A, %add3A_111 : vector<16xi32>
        %and3A_113 = arith.constant 15 : i32
        %and3A_114 = vector.broadcast %and3A_113 : i32 to vector<16xi32>
        %and3A_115 = arith.andi %add3A_112, %and3A_114 : vector<16xi32>
        %broadcast_in_dim3A_116 = vector.shape_cast %and3A_115 : vector<16xi32> to vector<16x1xi32>
        %gather3A = vector.shape_cast %broadcast_in_dim3A_116 : vector<16x1xi32> to vector<16xi32>
        %gather3A_117 = tpu.dynamic_gather %get3A_109[%gather3A] in [0] : vector<16xf32>, vector<16xi32> -> vector<16xf32>
        %min3A = arith.minimumf %get3A_109, %gather3A_117 : vector<16xf32>
        %add3A_118 = arith.constant 4 : i32
        %add3A_119 = vector.broadcast %add3A_118 : i32 to vector<16xi32>
        %add3A_120 = arith.addi %iota3A, %add3A_119 : vector<16xi32>
        %and3A_121 = arith.constant 15 : i32
        %and3A_122 = vector.broadcast %and3A_121 : i32 to vector<16xi32>
        %and3A_123 = arith.andi %add3A_120, %and3A_122 : vector<16xi32>
        %broadcast_in_dim3A_124 = vector.shape_cast %and3A_123 : vector<16xi32> to vector<16x1xi32>
        %gather3A_125 = vector.shape_cast %broadcast_in_dim3A_124 : vector<16x1xi32> to vector<16xi32>
        %gather3A_126 = tpu.dynamic_gather %min3A[%gather3A_125] in [0] : vector<16xf32>, vector<16xi32> -> vector<16xf32>
        %min3A_127 = arith.minimumf %min3A, %gather3A_126 : vector<16xf32>
        %add3A_128 = arith.constant 2 : i32
        %add3A_129 = vector.broadcast %add3A_128 : i32 to vector<16xi32>
        %add3A_130 = arith.addi %iota3A, %add3A_129 : vector<16xi32>
        %and3A_131 = arith.constant 15 : i32
        %and3A_132 = vector.broadcast %and3A_131 : i32 to vector<16xi32>
        %and3A_133 = arith.andi %add3A_130, %and3A_132 : vector<16xi32>
        %broadcast_in_dim3A_134 = vector.shape_cast %and3A_133 : vector<16xi32> to vector<16x1xi32>
        %gather3A_135 = vector.shape_cast %broadcast_in_dim3A_134 : vector<16x1xi32> to vector<16xi32>
        %gather3A_136 = tpu.dynamic_gather %min3A_127[%gather3A_135] in [0] : vector<16xf32>, vector<16xi32> -> vector<16xf32>
        %min3A_137 = arith.minimumf %min3A_127, %gather3A_136 : vector<16xf32>
        %add3A_138 = arith.constant 1 : i32
        %add3A_139 = vector.broadcast %add3A_138 : i32 to vector<16xi32>
        %add3A_140 = arith.addi %iota3A, %add3A_139 : vector<16xi32>
        %and3A_141 = arith.constant 15 : i32
        %and3A_142 = vector.broadcast %and3A_141 : i32 to vector<16xi32>
        %and3A_143 = arith.andi %add3A_140, %and3A_142 : vector<16xi32>
        %broadcast_in_dim3A_144 = vector.shape_cast %and3A_143 : vector<16xi32> to vector<16x1xi32>
        %gather3A_145 = vector.shape_cast %broadcast_in_dim3A_144 : vector<16x1xi32> to vector<16xi32>
        %gather3A_146 = tpu.dynamic_gather %min3A_137[%gather3A_145] in [0] : vector<16xf32>, vector<16xi32> -> vector<16xf32>
        %min3A_147 = arith.minimumf %min3A_137, %gather3A_146 : vector<16xf32>
        %slice3A = vector.extract_strided_slice %min3A_147 {offsets = [0], sizes = [1], strides = [1]} : vector<16xf32> to vector<1xf32>
        %squeeze3A = vector.extract %slice3A[0] : f32 from vector<1xf32>
        %lt3A_148 = arith.constant 2.500000e+00 : f32
        %lt3A_149 = arith.cmpf olt, %squeeze3A, %lt3A_148 : f32
        %convert_element_type3A = arith.extui %lt3A_149 : i1 to i32
        %cond3A = arith.constant 0 : i32
        %cond3A_150 = arith.cmpi ne, %convert_element_type3A, %cond3A : i32
        scf.if %cond3A_150 {
          %mul3A_152 = arith.constant 4 : i32
          %mul3A_153 = arith.muli %scan3A_105, %mul3A_152 : i32
          %add3A_154 = arith.constant 1 : i32
          %add3A_155 = arith.addi %scan3A_105, %add3A_154 : i32
          %mul3A_156 = arith.constant 4 : i32
          %mul3A_157 = arith.muli %add3A_155, %mul3A_156 : i32
          %while3A = arith.subi %mul3A_157, %mul3A_153 : i32
          %while3A_158 = arith.addi %mul3A_153, %while3A : i32
          %while3A_159 = arith.constant 1 : i32
          %while3A_160 = arith.divsi %while3A, %while3A_159 : i32
          %while3A_161 = arith.muli %while3A_160, %while3A_159 : i32
          %while3A_162 = arith.addi %mul3A_153, %while3A_161 : i32
          %while3A_163 = arith.constant 1 : i32
          %while3A_164 = scf.for %while3A_171 = %mul3A_153 to %while3A_162 step %while3A_163 iter_args(%while3A_172 = %get3A_109) -> (vector<16xf32>)  : i32 {
            %add3A_173 = arith.addi %add3A_48, %while3A_171 : i32
            %and3A_174 = arith.constant 127 : i32
            %and3A_175 = arith.andi %add3A_173, %and3A_174 : i32
            %mul3A_176 = arith.constant 16 : i32
            %mul3A_177 = arith.muli %and3A_175, %mul3A_176 : i32
            %get3A_178 = arith.constant 0 : i32
            %get3A_179 = arith.index_cast %get3A_178 : i32 to index
            %get3A_180 = arith.index_cast %mul3A_177 : i32 to index
            %get3A_181 = tpu.vector_load %arg5[%get3A_179, %get3A_180] {strides = array<i32>} : memref<3x2048xf32, #tpu.memory_space<vmem>>, vector<1x16xf32>,
            %get3A_182 = vector.shape_cast %get3A_181 : vector<1x16xf32> to vector<16xf32>
            %get3A_183 = arith.constant 1 : i32
            %get3A_184 = arith.index_cast %get3A_183 : i32 to index
            %get3A_185 = arith.index_cast %mul3A_177 : i32 to index
            %get3A_186 = tpu.vector_load %arg5[%get3A_184, %get3A_185] {strides = array<i32>} : memref<3x2048xf32, #tpu.memory_space<vmem>>, vector<1x16xf32>,
            %get3A_187 = vector.shape_cast %get3A_186 : vector<1x16xf32> to vector<16xf32>
            %get3A_188 = arith.constant 2 : i32
            %get3A_189 = arith.index_cast %get3A_188 : i32 to index
            %get3A_190 = arith.index_cast %mul3A_177 : i32 to index
            %get3A_191 = tpu.vector_load %arg5[%get3A_189, %get3A_190] {strides = array<i32>} : memref<3x2048xf32, #tpu.memory_space<vmem>>, vector<1x16xf32>,
            %get3A_192 = vector.shape_cast %get3A_191 : vector<1x16xf32> to vector<16xf32>
            %get3A_193 = arith.index_cast %mul3A_177 : i32 to index
            %get3A_194 = tpu.vector_load %arg6[%get3A_193] {strides = array<i32>} : memref<2048xf32, #tpu.memory_space<vmem>>, vector<16xf32>,
            %get3A_195 = vector.shape_cast %get3A_194 : vector<16xf32> to vector<16xf32>
            %slice3A_196 = vector.extract_strided_slice %get3A_182 {offsets = [0], sizes = [1], strides = [1]} : vector<16xf32> to vector<1xf32>
            %squeeze3A_197 = vector.extract %slice3A_196[0] : f32 from vector<1xf32>
            %broadcast_in_dim3A_198 = vector.broadcast %squeeze3A_197 : f32 to vector<16xf32>
            %slice3A_199 = vector.extract_strided_slice %get3A_187 {offsets = [0], sizes = [1], strides = [1]} : vector<16xf32> to vector<1xf32>
            %squeeze3A_200 = vector.extract %slice3A_199[0] : f32 from vector<1xf32>
            %broadcast_in_dim3A_201 = vector.broadcast %squeeze3A_200 : f32 to vector<16xf32>
            %slice3A_202 = vector.extract_strided_slice %get3A_192 {offsets = [0], sizes = [1], strides = [1]} : vector<16xf32> to vector<1xf32>
            %squeeze3A_203 = vector.extract %slice3A_202[0] : f32 from vector<1xf32>
            %broadcast_in_dim3A_204 = vector.broadcast %squeeze3A_203 : f32 to vector<16xf32>
            %slice3A_205 = vector.extract_strided_slice %get3A_195 {offsets = [0], sizes = [1], strides = [1]} : vector<16xf32> to vector<1xf32>
            %squeeze3A_206 = vector.extract %slice3A_205[0] : f32 from vector<1xf32>
            %broadcast_in_dim3A_207 = vector.broadcast %squeeze3A_206 : f32 to vector<16xf32>
            %mul3A_208 = arith.mulf %mul3A_57, %broadcast_in_dim3A_198 : vector<16xf32>
            %mul3A_209 = arith.mulf %mul3A_65, %broadcast_in_dim3A_201 : vector<16xf32>
            %add3A_210 = arith.addf %mul3A_208, %mul3A_209 : vector<16xf32>
            %mul3A_211 = arith.mulf %mul3A_73, %broadcast_in_dim3A_204 : vector<16xf32>
            %add3A_212 = arith.addf %add3A_210, %mul3A_211 : vector<16xf32>
            %add3A_213 = arith.addf %get3A_76, %broadcast_in_dim3A_207 : vector<16xf32>
            %add3A_214 = arith.addf %add3A_213, %add3A_212 : vector<16xf32>
            %le3A = arith.constant 1.210000e+00 : f32
            %le3A_215 = vector.broadcast %le3A : f32 to vector<16xf32>
            %le3A_216 = arith.cmpf ole, %add3A_214, %le3A_215 : vector<16xf32>
            %jit3A_217 = arith.constant 1.000000e+00 : f32
            %jit3A_218 = arith.constant 0.000000e+00 : f32
            %broadcast_in_dim3A_219 = vector.broadcast %jit3A_217 : f32 to vector<16xf32>
            %broadcast_in_dim3A_220 = vector.broadcast %jit3A_218 : f32 to vector<16xf32>
            %select_n3A_221 = arith.select %le3A_216, %broadcast_in_dim3A_219, %broadcast_in_dim3A_220 : vector<16xi1>, vector<16xf32>
            %add3A_222 = arith.addf %while3A_172, %select_n3A_221 : vector<16xf32>
            %slice3A_223 = vector.extract_strided_slice %get3A_182 {offsets = [1], sizes = [1], strides = [1]} : vector<16xf32> to vector<1xf32>
            %squeeze3A_224 = vector.extract %slice3A_223[0] : f32 from vector<1xf32>
            %broadcast_in_dim3A_225 = vector.broadcast %squeeze3A_224 : f32 to vector<16xf32>
            %slice3A_226 = vector.extract_strided_slice %get3A_187 {offsets = [1], sizes = [1], strides = [1]} : vector<16xf32> to vector<1xf32>
            %squeeze3A_227 = vector.extract %slice3A_226[0] : f32 from vector<1xf32>
            %broadcast_in_dim3A_228 = vector.broadcast %squeeze3A_227 : f32 to vector<16xf32>
            %slice3A_229 = vector.extract_strided_slice %get3A_192 {offsets = [1], sizes = [1], strides = [1]} : vector<16xf32> to vector<1xf32>
            %squeeze3A_230 = vector.extract %slice3A_229[0] : f32 from vector<1xf32>
            %broadcast_in_dim3A_231 = vector.broadcast %squeeze3A_230 : f32 to vector<16xf32>
            %slice3A_232 = vector.extract_strided_slice %get3A_195 {offsets = [1], sizes = [1], strides = [1]} : vector<16xf32> to vector<1xf32>
            %squeeze3A_233 = vector.extract %slice3A_232[0] : f32 from vector<1xf32>
            %broadcast_in_dim3A_234 = vector.broadcast %squeeze3A_233 : f32 to vector<16xf32>
            %mul3A_235 = arith.mulf %mul3A_57, %broadcast_in_dim3A_225 : vector<16xf32>
            %mul3A_236 = arith.mulf %mul3A_65, %broadcast_in_dim3A_228 : vector<16xf32>
            %add3A_237 = arith.addf %mul3A_235, %mul3A_236 : vector<16xf32>
            %mul3A_238 = arith.mulf %mul3A_73, %broadcast_in_dim3A_231 : vector<16xf32>
            %add3A_239 = arith.addf %add3A_237, %mul3A_238 : vector<16xf32>
            %add3A_240 = arith.addf %get3A_76, %broadcast_in_dim3A_234 : vector<16xf32>
            %add3A_241 = arith.addf %add3A_240, %add3A_239 : vector<16xf32>
            %le3A_242 = arith.constant 1.210000e+00 : f32
            %le3A_243 = vector.broadcast %le3A_242 : f32 to vector<16xf32>
            %le3A_244 = arith.cmpf ole, %add3A_241, %le3A_243 : vector<16xf32>
            %jit3A_245 = arith.constant 1.000000e+00 : f32
            %jit3A_246 = arith.constant 0.000000e+00 : f32
            %broadcast_in_dim3A_247 = vector.broadcast %jit3A_245 : f32 to vector<16xf32>
            %broadcast_in_dim3A_248 = vector.broadcast %jit3A_246 : f32 to vector<16xf32>
            %select_n3A_249 = arith.select %le3A_244, %broadcast_in_dim3A_247, %broadcast_in_dim3A_248 : vector<16xi1>, vector<16xf32>
            %add3A_250 = arith.addf %add3A_222, %select_n3A_249 : vector<16xf32>
            %slice3A_251 = vector.extract_strided_slice %get3A_182 {offsets = [2], sizes = [1], strides = [1]} : vector<16xf32> to vector<1xf32>
            %squeeze3A_252 = vector.extract %slice3A_251[0] : f32 from vector<1xf32>
            %broadcast_in_dim3A_253 = vector.broadcast %squeeze3A_252 : f32 to vector<16xf32>
            %slice3A_254 = vector.extract_strided_slice %get3A_187 {offsets = [2], sizes = [1], strides = [1]} : vector<16xf32> to vector<1xf32>
            %squeeze3A_255 = vector.extract %slice3A_254[0] : f32 from vector<1xf32>
            %broadcast_in_dim3A_256 = vector.broadcast %squeeze3A_255 : f32 to vector<16xf32>
            %slice3A_257 = vector.extract_strided_slice %get3A_192 {offsets = [2], sizes = [1], strides = [1]} : vector<16xf32> to vector<1xf32>
            %squeeze3A_258 = vector.extract %slice3A_257[0] : f32 from vector<1xf32>
            %broadcast_in_dim3A_259 = vector.broadcast %squeeze3A_258 : f32 to vector<16xf32>
            %slice3A_260 = vector.extract_strided_slice %get3A_195 {offsets = [2], sizes = [1], strides = [1]} : vector<16xf32> to vector<1xf32>
            %squeeze3A_261 = vector.extract %slice3A_260[0] : f32 from vector<1xf32>
            %broadcast_in_dim3A_262 = vector.broadcast %squeeze3A_261 : f32 to vector<16xf32>
            %mul3A_263 = arith.mulf %mul3A_57, %broadcast_in_dim3A_253 : vector<16xf32>
            %mul3A_264 = arith.mulf %mul3A_65, %broadcast_in_dim3A_256 : vector<16xf32>
            %add3A_265 = arith.addf %mul3A_263, %mul3A_264 : vector<16xf32>
            %mul3A_266 = arith.mulf %mul3A_73, %broadcast_in_dim3A_259 : vector<16xf32>
            %add3A_267 = arith.addf %add3A_265, %mul3A_266 : vector<16xf32>
            %add3A_268 = arith.addf %get3A_76, %broadcast_in_dim3A_262 : vector<16xf32>
            %add3A_269 = arith.addf %add3A_268, %add3A_267 : vector<16xf32>
            %le3A_270 = arith.constant 1.210000e+00 : f32
            %le3A_271 = vector.broadcast %le3A_270 : f32 to vector<16xf32>
            %le3A_272 = arith.cmpf ole, %add3A_269, %le3A_271 : vector<16xf32>
            %jit3A_273 = arith.constant 1.000000e+00 : f32
            %jit3A_274 = arith.constant 0.000000e+00 : f32
            %broadcast_in_dim3A_275 = vector.broadcast %jit3A_273 : f32 to vector<16xf32>
            %broadcast_in_dim3A_276 = vector.broadcast %jit3A_274 : f32 to vector<16xf32>
            %select_n3A_277 = arith.select %le3A_272, %broadcast_in_dim3A_275, %broadcast_in_dim3A_276 : vector<16xi1>, vector<16xf32>
            %add3A_278 = arith.addf %add3A_250, %select_n3A_277 : vector<16xf32>
            %slice3A_279 = vector.extract_strided_slice %get3A_182 {offsets = [3], sizes = [1], strides = [1]} : vector<16xf32> to vector<1xf32>
            %squeeze3A_280 = vector.extract %slice3A_279[0] : f32 from vector<1xf32>
            %broadcast_in_dim3A_281 = vector.broadcast %squeeze3A_280 : f32 to vector<16xf32>
            %slice3A_282 = vector.extract_strided_slice %get3A_187 {offsets = [3], sizes = [1], strides = [1]} : vector<16xf32> to vector<1xf32>
            %squeeze3A_283 = vector.extract %slice3A_282[0] : f32 from vector<1xf32>
            %broadcast_in_dim3A_284 = vector.broadcast %squeeze3A_283 : f32 to vector<16xf32>
            %slice3A_285 = vector.extract_strided_slice %get3A_192 {offsets = [3], sizes = [1], strides = [1]} : vector<16xf32> to vector<1xf32>
            %squeeze3A_286 = vector.extract %slice3A_285[0] : f32 from vector<1xf32>
            %broadcast_in_dim3A_287 = vector.broadcast %squeeze3A_286 : f32 to vector<16xf32>
            %slice3A_288 = vector.extract_strided_slice %get3A_195 {offsets = [3], sizes = [1], strides = [1]} : vector<16xf32> to vector<1xf32>
            %squeeze3A_289 = vector.extract %slice3A_288[0] : f32 from vector<1xf32>
            %broadcast_in_dim3A_290 = vector.broadcast %squeeze3A_289 : f32 to vector<16xf32>
            %mul3A_291 = arith.mulf %mul3A_57, %broadcast_in_dim3A_281 : vector<16xf32>
            %mul3A_292 = arith.mulf %mul3A_65, %broadcast_in_dim3A_284 : vector<16xf32>
            %add3A_293 = arith.addf %mul3A_291, %mul3A_292 : vector<16xf32>
            %mul3A_294 = arith.mulf %mul3A_73, %broadcast_in_dim3A_287 : vector<16xf32>
            %add3A_295 = arith.addf %add3A_293, %mul3A_294 : vector<16xf32>
            %add3A_296 = arith.addf %get3A_76, %broadcast_in_dim3A_290 : vector<16xf32>
            %add3A_297 = arith.addf %add3A_296, %add3A_295 : vector<16xf32>
            %le3A_298 = arith.constant 1.210000e+00 : f32
            %le3A_299 = vector.broadcast %le3A_298 : f32 to vector<16xf32>
            %le3A_300 = arith.cmpf ole, %add3A_297, %le3A_299 : vector<16xf32>
            %jit3A_301 = arith.constant 1.000000e+00 : f32
            %jit3A_302 = arith.constant 0.000000e+00 : f32
            %broadcast_in_dim3A_303 = vector.broadcast %jit3A_301 : f32 to vector<16xf32>
            %broadcast_in_dim3A_304 = vector.broadcast %jit3A_302 : f32 to vector<16xf32>
            %select_n3A_305 = arith.select %le3A_300, %broadcast_in_dim3A_303, %broadcast_in_dim3A_304 : vector<16xi1>, vector<16xf32>
            %add3A_306 = arith.addf %add3A_278, %select_n3A_305 : vector<16xf32>
            %slice3A_307 = vector.extract_strided_slice %get3A_182 {offsets = [4], sizes = [1], strides = [1]} : vector<16xf32> to vector<1xf32>
            %squeeze3A_308 = vector.extract %slice3A_307[0] : f32 from vector<1xf32>
            %broadcast_in_dim3A_309 = vector.broadcast %squeeze3A_308 : f32 to vector<16xf32>
            %slice3A_310 = vector.extract_strided_slice %get3A_187 {offsets = [4], sizes = [1], strides = [1]} : vector<16xf32> to vector<1xf32>
            %squeeze3A_311 = vector.extract %slice3A_310[0] : f32 from vector<1xf32>
            %broadcast_in_dim3A_312 = vector.broadcast %squeeze3A_311 : f32 to vector<16xf32>
            %slice3A_313 = vector.extract_strided_slice %get3A_192 {offsets = [4], sizes = [1], strides = [1]} : vector<16xf32> to vector<1xf32>
            %squeeze3A_314 = vector.extract %slice3A_313[0] : f32 from vector<1xf32>
            %broadcast_in_dim3A_315 = vector.broadcast %squeeze3A_314 : f32 to vector<16xf32>
            %slice3A_316 = vector.extract_strided_slice %get3A_195 {offsets = [4], sizes = [1], strides = [1]} : vector<16xf32> to vector<1xf32>
            %squeeze3A_317 = vector.extract %slice3A_316[0] : f32 from vector<1xf32>
            %broadcast_in_dim3A_318 = vector.broadcast %squeeze3A_317 : f32 to vector<16xf32>
            %mul3A_319 = arith.mulf %mul3A_57, %broadcast_in_dim3A_309 : vector<16xf32>
            %mul3A_320 = arith.mulf %mul3A_65, %broadcast_in_dim3A_312 : vector<16xf32>
            %add3A_321 = arith.addf %mul3A_319, %mul3A_320 : vector<16xf32>
            %mul3A_322 = arith.mulf %mul3A_73, %broadcast_in_dim3A_315 : vector<16xf32>
            %add3A_323 = arith.addf %add3A_321, %mul3A_322 : vector<16xf32>
            %add3A_324 = arith.addf %get3A_76, %broadcast_in_dim3A_318 : vector<16xf32>
            %add3A_325 = arith.addf %add3A_324, %add3A_323 : vector<16xf32>
            %le3A_326 = arith.constant 1.210000e+00 : f32
            %le3A_327 = vector.broadcast %le3A_326 : f32 to vector<16xf32>
            %le3A_328 = arith.cmpf ole, %add3A_325, %le3A_327 : vector<16xf32>
            %jit3A_329 = arith.constant 1.000000e+00 : f32
            %jit3A_330 = arith.constant 0.000000e+00 : f32
            %broadcast_in_dim3A_331 = vector.broadcast %jit3A_329 : f32 to vector<16xf32>
            %broadcast_in_dim3A_332 = vector.broadcast %jit3A_330 : f32 to vector<16xf32>
            %select_n3A_333 = arith.select %le3A_328, %broadcast_in_dim3A_331, %broadcast_in_dim3A_332 : vector<16xi1>, vector<16xf32>
            %add3A_334 = arith.addf %add3A_306, %select_n3A_333 : vector<16xf32>
            %slice3A_335 = vector.extract_strided_slice %get3A_182 {offsets = [5], sizes = [1], strides = [1]} : vector<16xf32> to vector<1xf32>
            %squeeze3A_336 = vector.extract %slice3A_335[0] : f32 from vector<1xf32>
            %broadcast_in_dim3A_337 = vector.broadcast %squeeze3A_336 : f32 to vector<16xf32>
            %slice3A_338 = vector.extract_strided_slice %get3A_187 {offsets = [5], sizes = [1], strides = [1]} : vector<16xf32> to vector<1xf32>
            %squeeze3A_339 = vector.extract %slice3A_338[0] : f32 from vector<1xf32>
            %broadcast_in_dim3A_340 = vector.broadcast %squeeze3A_339 : f32 to vector<16xf32>
            %slice3A_341 = vector.extract_strided_slice %get3A_192 {offsets = [5], sizes = [1], strides = [1]} : vector<16xf32> to vector<1xf32>
            %squeeze3A_342 = vector.extract %slice3A_341[0] : f32 from vector<1xf32>
            %broadcast_in_dim3A_343 = vector.broadcast %squeeze3A_342 : f32 to vector<16xf32>
            %slice3A_344 = vector.extract_strided_slice %get3A_195 {offsets = [5], sizes = [1], strides = [1]} : vector<16xf32> to vector<1xf32>
            %squeeze3A_345 = vector.extract %slice3A_344[0] : f32 from vector<1xf32>
            %broadcast_in_dim3A_346 = vector.broadcast %squeeze3A_345 : f32 to vector<16xf32>
            %mul3A_347 = arith.mulf %mul3A_57, %broadcast_in_dim3A_337 : vector<16xf32>
            %mul3A_348 = arith.mulf %mul3A_65, %broadcast_in_dim3A_340 : vector<16xf32>
            %add3A_349 = arith.addf %mul3A_347, %mul3A_348 : vector<16xf32>
            %mul3A_350 = arith.mulf %mul3A_73, %broadcast_in_dim3A_343 : vector<16xf32>
            %add3A_351 = arith.addf %add3A_349, %mul3A_350 : vector<16xf32>
            %add3A_352 = arith.addf %get3A_76, %broadcast_in_dim3A_346 : vector<16xf32>
            %add3A_353 = arith.addf %add3A_352, %add3A_351 : vector<16xf32>
            %le3A_354 = arith.constant 1.210000e+00 : f32
            %le3A_355 = vector.broadcast %le3A_354 : f32 to vector<16xf32>
            %le3A_356 = arith.cmpf ole, %add3A_353, %le3A_355 : vector<16xf32>
            %jit3A_357 = arith.constant 1.000000e+00 : f32
            %jit3A_358 = arith.constant 0.000000e+00 : f32
            %broadcast_in_dim3A_359 = vector.broadcast %jit3A_357 : f32 to vector<16xf32>
            %broadcast_in_dim3A_360 = vector.broadcast %jit3A_358 : f32 to vector<16xf32>
            %select_n3A_361 = arith.select %le3A_356, %broadcast_in_dim3A_359, %broadcast_in_dim3A_360 : vector<16xi1>, vector<16xf32>
            %add3A_362 = arith.addf %add3A_334, %select_n3A_361 : vector<16xf32>
            %slice3A_363 = vector.extract_strided_slice %get3A_182 {offsets = [6], sizes = [1], strides = [1]} : vector<16xf32> to vector<1xf32>
            %squeeze3A_364 = vector.extract %slice3A_363[0] : f32 from vector<1xf32>
            %broadcast_in_dim3A_365 = vector.broadcast %squeeze3A_364 : f32 to vector<16xf32>
            %slice3A_366 = vector.extract_strided_slice %get3A_187 {offsets = [6], sizes = [1], strides = [1]} : vector<16xf32> to vector<1xf32>
            %squeeze3A_367 = vector.extract %slice3A_366[0] : f32 from vector<1xf32>
            %broadcast_in_dim3A_368 = vector.broadcast %squeeze3A_367 : f32 to vector<16xf32>
            %slice3A_369 = vector.extract_strided_slice %get3A_192 {offsets = [6], sizes = [1], strides = [1]} : vector<16xf32> to vector<1xf32>
            %squeeze3A_370 = vector.extract %slice3A_369[0] : f32 from vector<1xf32>
            %broadcast_in_dim3A_371 = vector.broadcast %squeeze3A_370 : f32 to vector<16xf32>
            %slice3A_372 = vector.extract_strided_slice %get3A_195 {offsets = [6], sizes = [1], strides = [1]} : vector<16xf32> to vector<1xf32>
            %squeeze3A_373 = vector.extract %slice3A_372[0] : f32 from vector<1xf32>
            %broadcast_in_dim3A_374 = vector.broadcast %squeeze3A_373 : f32 to vector<16xf32>
            %mul3A_375 = arith.mulf %mul3A_57, %broadcast_in_dim3A_365 : vector<16xf32>
            %mul3A_376 = arith.mulf %mul3A_65, %broadcast_in_dim3A_368 : vector<16xf32>
            %add3A_377 = arith.addf %mul3A_375, %mul3A_376 : vector<16xf32>
            %mul3A_378 = arith.mulf %mul3A_73, %broadcast_in_dim3A_371 : vector<16xf32>
            %add3A_379 = arith.addf %add3A_377, %mul3A_378 : vector<16xf32>
            %add3A_380 = arith.addf %get3A_76, %broadcast_in_dim3A_374 : vector<16xf32>
            %add3A_381 = arith.addf %add3A_380, %add3A_379 : vector<16xf32>
            %le3A_382 = arith.constant 1.210000e+00 : f32
            %le3A_383 = vector.broadcast %le3A_382 : f32 to vector<16xf32>
            %le3A_384 = arith.cmpf ole, %add3A_381, %le3A_383 : vector<16xf32>
            %jit3A_385 = arith.constant 1.000000e+00 : f32
            %jit3A_386 = arith.constant 0.000000e+00 : f32
            %broadcast_in_dim3A_387 = vector.broadcast %jit3A_385 : f32 to vector<16xf32>
            %broadcast_in_dim3A_388 = vector.broadcast %jit3A_386 : f32 to vector<16xf32>
            %select_n3A_389 = arith.select %le3A_384, %broadcast_in_dim3A_387, %broadcast_in_dim3A_388 : vector<16xi1>, vector<16xf32>
            %add3A_390 = arith.addf %add3A_362, %select_n3A_389 : vector<16xf32>
            %slice3A_391 = vector.extract_strided_slice %get3A_182 {offsets = [7], sizes = [1], strides = [1]} : vector<16xf32> to vector<1xf32>
            %squeeze3A_392 = vector.extract %slice3A_391[0] : f32 from vector<1xf32>
            %broadcast_in_dim3A_393 = vector.broadcast %squeeze3A_392 : f32 to vector<16xf32>
            %slice3A_394 = vector.extract_strided_slice %get3A_187 {offsets = [7], sizes = [1], strides = [1]} : vector<16xf32> to vector<1xf32>
            %squeeze3A_395 = vector.extract %slice3A_394[0] : f32 from vector<1xf32>
            %broadcast_in_dim3A_396 = vector.broadcast %squeeze3A_395 : f32 to vector<16xf32>
            %slice3A_397 = vector.extract_strided_slice %get3A_192 {offsets = [7], sizes = [1], strides = [1]} : vector<16xf32> to vector<1xf32>
            %squeeze3A_398 = vector.extract %slice3A_397[0] : f32 from vector<1xf32>
            %broadcast_in_dim3A_399 = vector.broadcast %squeeze3A_398 : f32 to vector<16xf32>
            %slice3A_400 = vector.extract_strided_slice %get3A_195 {offsets = [7], sizes = [1], strides = [1]} : vector<16xf32> to vector<1xf32>
            %squeeze3A_401 = vector.extract %slice3A_400[0] : f32 from vector<1xf32>
            %broadcast_in_dim3A_402 = vector.broadcast %squeeze3A_401 : f32 to vector<16xf32>
            %mul3A_403 = arith.mulf %mul3A_57, %broadcast_in_dim3A_393 : vector<16xf32>
            %mul3A_404 = arith.mulf %mul3A_65, %broadcast_in_dim3A_396 : vector<16xf32>
            %add3A_405 = arith.addf %mul3A_403, %mul3A_404 : vector<16xf32>
            %mul3A_406 = arith.mulf %mul3A_73, %broadcast_in_dim3A_399 : vector<16xf32>
            %add3A_407 = arith.addf %add3A_405, %mul3A_406 : vector<16xf32>
            %add3A_408 = arith.addf %get3A_76, %broadcast_in_dim3A_402 : vector<16xf32>
            %add3A_409 = arith.addf %add3A_408, %add3A_407 : vector<16xf32>
            %le3A_410 = arith.constant 1.210000e+00 : f32
            %le3A_411 = vector.broadcast %le3A_410 : f32 to vector<16xf32>
            %le3A_412 = arith.cmpf ole, %add3A_409, %le3A_411 : vector<16xf32>
            %jit3A_413 = arith.constant 1.000000e+00 : f32
            %jit3A_414 = arith.constant 0.000000e+00 : f32
            %broadcast_in_dim3A_415 = vector.broadcast %jit3A_413 : f32 to vector<16xf32>
            %broadcast_in_dim3A_416 = vector.broadcast %jit3A_414 : f32 to vector<16xf32>
            %select_n3A_417 = arith.select %le3A_412, %broadcast_in_dim3A_415, %broadcast_in_dim3A_416 : vector<16xi1>, vector<16xf32>
            %add3A_418 = arith.addf %add3A_390, %select_n3A_417 : vector<16xf32>
            %slice3A_419 = vector.extract_strided_slice %get3A_182 {offsets = [8], sizes = [1], strides = [1]} : vector<16xf32> to vector<1xf32>
            %squeeze3A_420 = vector.extract %slice3A_419[0] : f32 from vector<1xf32>
            %broadcast_in_dim3A_421 = vector.broadcast %squeeze3A_420 : f32 to vector<16xf32>
            %slice3A_422 = vector.extract_strided_slice %get3A_187 {offsets = [8], sizes = [1], strides = [1]} : vector<16xf32> to vector<1xf32>
            %squeeze3A_423 = vector.extract %slice3A_422[0] : f32 from vector<1xf32>
            %broadcast_in_dim3A_424 = vector.broadcast %squeeze3A_423 : f32 to vector<16xf32>
            %slice3A_425 = vector.extract_strided_slice %get3A_192 {offsets = [8], sizes = [1], strides = [1]} : vector<16xf32> to vector<1xf32>
            %squeeze3A_426 = vector.extract %slice3A_425[0] : f32 from vector<1xf32>
            %broadcast_in_dim3A_427 = vector.broadcast %squeeze3A_426 : f32 to vector<16xf32>
            %slice3A_428 = vector.extract_strided_slice %get3A_195 {offsets = [8], sizes = [1], strides = [1]} : vector<16xf32> to vector<1xf32>
            %squeeze3A_429 = vector.extract %slice3A_428[0] : f32 from vector<1xf32>
            %broadcast_in_dim3A_430 = vector.broadcast %squeeze3A_429 : f32 to vector<16xf32>
            %mul3A_431 = arith.mulf %mul3A_57, %broadcast_in_dim3A_421 : vector<16xf32>
            %mul3A_432 = arith.mulf %mul3A_65, %broadcast_in_dim3A_424 : vector<16xf32>
            %add3A_433 = arith.addf %mul3A_431, %mul3A_432 : vector<16xf32>
            %mul3A_434 = arith.mulf %mul3A_73, %broadcast_in_dim3A_427 : vector<16xf32>
            %add3A_435 = arith.addf %add3A_433, %mul3A_434 : vector<16xf32>
            %add3A_436 = arith.addf %get3A_76, %broadcast_in_dim3A_430 : vector<16xf32>
            %add3A_437 = arith.addf %add3A_436, %add3A_435 : vector<16xf32>
            %le3A_438 = arith.constant 1.210000e+00 : f32
            %le3A_439 = vector.broadcast %le3A_438 : f32 to vector<16xf32>
            %le3A_440 = arith.cmpf ole, %add3A_437, %le3A_439 : vector<16xf32>
            %jit3A_441 = arith.constant 1.000000e+00 : f32
            %jit3A_442 = arith.constant 0.000000e+00 : f32
            %broadcast_in_dim3A_443 = vector.broadcast %jit3A_441 : f32 to vector<16xf32>
            %broadcast_in_dim3A_444 = vector.broadcast %jit3A_442 : f32 to vector<16xf32>
            %select_n3A_445 = arith.select %le3A_440, %broadcast_in_dim3A_443, %broadcast_in_dim3A_444 : vector<16xi1>, vector<16xf32>
            %add3A_446 = arith.addf %add3A_418, %select_n3A_445 : vector<16xf32>
            %slice3A_447 = vector.extract_strided_slice %get3A_182 {offsets = [9], sizes = [1], strides = [1]} : vector<16xf32> to vector<1xf32>
            %squeeze3A_448 = vector.extract %slice3A_447[0] : f32 from vector<1xf32>
            %broadcast_in_dim3A_449 = vector.broadcast %squeeze3A_448 : f32 to vector<16xf32>
            %slice3A_450 = vector.extract_strided_slice %get3A_187 {offsets = [9], sizes = [1], strides = [1]} : vector<16xf32> to vector<1xf32>
            %squeeze3A_451 = vector.extract %slice3A_450[0] : f32 from vector<1xf32>
            %broadcast_in_dim3A_452 = vector.broadcast %squeeze3A_451 : f32 to vector<16xf32>
            %slice3A_453 = vector.extract_strided_slice %get3A_192 {offsets = [9], sizes = [1], strides = [1]} : vector<16xf32> to vector<1xf32>
            %squeeze3A_454 = vector.extract %slice3A_453[0] : f32 from vector<1xf32>
            %broadcast_in_dim3A_455 = vector.broadcast %squeeze3A_454 : f32 to vector<16xf32>
            %slice3A_456 = vector.extract_strided_slice %get3A_195 {offsets = [9], sizes = [1], strides = [1]} : vector<16xf32> to vector<1xf32>
            %squeeze3A_457 = vector.extract %slice3A_456[0] : f32 from vector<1xf32>
            %broadcast_in_dim3A_458 = vector.broadcast %squeeze3A_457 : f32 to vector<16xf32>
            %mul3A_459 = arith.mulf %mul3A_57, %broadcast_in_dim3A_449 : vector<16xf32>
            %mul3A_460 = arith.mulf %mul3A_65, %broadcast_in_dim3A_452 : vector<16xf32>
            %add3A_461 = arith.addf %mul3A_459, %mul3A_460 : vector<16xf32>
            %mul3A_462 = arith.mulf %mul3A_73, %broadcast_in_dim3A_455 : vector<16xf32>
            %add3A_463 = arith.addf %add3A_461, %mul3A_462 : vector<16xf32>
            %add3A_464 = arith.addf %get3A_76, %broadcast_in_dim3A_458 : vector<16xf32>
            %add3A_465 = arith.addf %add3A_464, %add3A_463 : vector<16xf32>
            %le3A_466 = arith.constant 1.210000e+00 : f32
            %le3A_467 = vector.broadcast %le3A_466 : f32 to vector<16xf32>
            %le3A_468 = arith.cmpf ole, %add3A_465, %le3A_467 : vector<16xf32>
            %jit3A_469 = arith.constant 1.000000e+00 : f32
            %jit3A_470 = arith.constant 0.000000e+00 : f32
            %broadcast_in_dim3A_471 = vector.broadcast %jit3A_469 : f32 to vector<16xf32>
            %broadcast_in_dim3A_472 = vector.broadcast %jit3A_470 : f32 to vector<16xf32>
            %select_n3A_473 = arith.select %le3A_468, %broadcast_in_dim3A_471, %broadcast_in_dim3A_472 : vector<16xi1>, vector<16xf32>
            %add3A_474 = arith.addf %add3A_446, %select_n3A_473 : vector<16xf32>
            %slice3A_475 = vector.extract_strided_slice %get3A_182 {offsets = [10], sizes = [1], strides = [1]} : vector<16xf32> to vector<1xf32>
            %squeeze3A_476 = vector.extract %slice3A_475[0] : f32 from vector<1xf32>
            %broadcast_in_dim3A_477 = vector.broadcast %squeeze3A_476 : f32 to vector<16xf32>
            %slice3A_478 = vector.extract_strided_slice %get3A_187 {offsets = [10], sizes = [1], strides = [1]} : vector<16xf32> to vector<1xf32>
            %squeeze3A_479 = vector.extract %slice3A_478[0] : f32 from vector<1xf32>
            %broadcast_in_dim3A_480 = vector.broadcast %squeeze3A_479 : f32 to vector<16xf32>
            %slice3A_481 = vector.extract_strided_slice %get3A_192 {offsets = [10], sizes = [1], strides = [1]} : vector<16xf32> to vector<1xf32>
            %squeeze3A_482 = vector.extract %slice3A_481[0] : f32 from vector<1xf32>
            %broadcast_in_dim3A_483 = vector.broadcast %squeeze3A_482 : f32 to vector<16xf32>
            %slice3A_484 = vector.extract_strided_slice %get3A_195 {offsets = [10], sizes = [1], strides = [1]} : vector<16xf32> to vector<1xf32>
            %squeeze3A_485 = vector.extract %slice3A_484[0] : f32 from vector<1xf32>
            %broadcast_in_dim3A_486 = vector.broadcast %squeeze3A_485 : f32 to vector<16xf32>
            %mul3A_487 = arith.mulf %mul3A_57, %broadcast_in_dim3A_477 : vector<16xf32>
            %mul3A_488 = arith.mulf %mul3A_65, %broadcast_in_dim3A_480 : vector<16xf32>
            %add3A_489 = arith.addf %mul3A_487, %mul3A_488 : vector<16xf32>
            %mul3A_490 = arith.mulf %mul3A_73, %broadcast_in_dim3A_483 : vector<16xf32>
            %add3A_491 = arith.addf %add3A_489, %mul3A_490 : vector<16xf32>
            %add3A_492 = arith.addf %get3A_76, %broadcast_in_dim3A_486 : vector<16xf32>
            %add3A_493 = arith.addf %add3A_492, %add3A_491 : vector<16xf32>
            %le3A_494 = arith.constant 1.210000e+00 : f32
            %le3A_495 = vector.broadcast %le3A_494 : f32 to vector<16xf32>
            %le3A_496 = arith.cmpf ole, %add3A_493, %le3A_495 : vector<16xf32>
            %jit3A_497 = arith.constant 1.000000e+00 : f32
            %jit3A_498 = arith.constant 0.000000e+00 : f32
            %broadcast_in_dim3A_499 = vector.broadcast %jit3A_497 : f32 to vector<16xf32>
            %broadcast_in_dim3A_500 = vector.broadcast %jit3A_498 : f32 to vector<16xf32>
            %select_n3A_501 = arith.select %le3A_496, %broadcast_in_dim3A_499, %broadcast_in_dim3A_500 : vector<16xi1>, vector<16xf32>
            %add3A_502 = arith.addf %add3A_474, %select_n3A_501 : vector<16xf32>
            %slice3A_503 = vector.extract_strided_slice %get3A_182 {offsets = [11], sizes = [1], strides = [1]} : vector<16xf32> to vector<1xf32>
            %squeeze3A_504 = vector.extract %slice3A_503[0] : f32 from vector<1xf32>
            %broadcast_in_dim3A_505 = vector.broadcast %squeeze3A_504 : f32 to vector<16xf32>
            %slice3A_506 = vector.extract_strided_slice %get3A_187 {offsets = [11], sizes = [1], strides = [1]} : vector<16xf32> to vector<1xf32>
            %squeeze3A_507 = vector.extract %slice3A_506[0] : f32 from vector<1xf32>
            %broadcast_in_dim3A_508 = vector.broadcast %squeeze3A_507 : f32 to vector<16xf32>
            %slice3A_509 = vector.extract_strided_slice %get3A_192 {offsets = [11], sizes = [1], strides = [1]} : vector<16xf32> to vector<1xf32>
            %squeeze3A_510 = vector.extract %slice3A_509[0] : f32 from vector<1xf32>
            %broadcast_in_dim3A_511 = vector.broadcast %squeeze3A_510 : f32 to vector<16xf32>
            %slice3A_512 = vector.extract_strided_slice %get3A_195 {offsets = [11], sizes = [1], strides = [1]} : vector<16xf32> to vector<1xf32>
            %squeeze3A_513 = vector.extract %slice3A_512[0] : f32 from vector<1xf32>
            %broadcast_in_dim3A_514 = vector.broadcast %squeeze3A_513 : f32 to vector<16xf32>
            %mul3A_515 = arith.mulf %mul3A_57, %broadcast_in_dim3A_505 : vector<16xf32>
            %mul3A_516 = arith.mulf %mul3A_65, %broadcast_in_dim3A_508 : vector<16xf32>
            %add3A_517 = arith.addf %mul3A_515, %mul3A_516 : vector<16xf32>
            %mul3A_518 = arith.mulf %mul3A_73, %broadcast_in_dim3A_511 : vector<16xf32>
            %add3A_519 = arith.addf %add3A_517, %mul3A_518 : vector<16xf32>
            %add3A_520 = arith.addf %get3A_76, %broadcast_in_dim3A_514 : vector<16xf32>
            %add3A_521 = arith.addf %add3A_520, %add3A_519 : vector<16xf32>
            %le3A_522 = arith.constant 1.210000e+00 : f32
            %le3A_523 = vector.broadcast %le3A_522 : f32 to vector<16xf32>
            %le3A_524 = arith.cmpf ole, %add3A_521, %le3A_523 : vector<16xf32>
            %jit3A_525 = arith.constant 1.000000e+00 : f32
            %jit3A_526 = arith.constant 0.000000e+00 : f32
            %broadcast_in_dim3A_527 = vector.broadcast %jit3A_525 : f32 to vector<16xf32>
            %broadcast_in_dim3A_528 = vector.broadcast %jit3A_526 : f32 to vector<16xf32>
            %select_n3A_529 = arith.select %le3A_524, %broadcast_in_dim3A_527, %broadcast_in_dim3A_528 : vector<16xi1>, vector<16xf32>
            %add3A_530 = arith.addf %add3A_502, %select_n3A_529 : vector<16xf32>
            %slice3A_531 = vector.extract_strided_slice %get3A_182 {offsets = [12], sizes = [1], strides = [1]} : vector<16xf32> to vector<1xf32>
            %squeeze3A_532 = vector.extract %slice3A_531[0] : f32 from vector<1xf32>
            %broadcast_in_dim3A_533 = vector.broadcast %squeeze3A_532 : f32 to vector<16xf32>
            %slice3A_534 = vector.extract_strided_slice %get3A_187 {offsets = [12], sizes = [1], strides = [1]} : vector<16xf32> to vector<1xf32>
            %squeeze3A_535 = vector.extract %slice3A_534[0] : f32 from vector<1xf32>
            %broadcast_in_dim3A_536 = vector.broadcast %squeeze3A_535 : f32 to vector<16xf32>
            %slice3A_537 = vector.extract_strided_slice %get3A_192 {offsets = [12], sizes = [1], strides = [1]} : vector<16xf32> to vector<1xf32>
            %squeeze3A_538 = vector.extract %slice3A_537[0] : f32 from vector<1xf32>
            %broadcast_in_dim3A_539 = vector.broadcast %squeeze3A_538 : f32 to vector<16xf32>
            %slice3A_540 = vector.extract_strided_slice %get3A_195 {offsets = [12], sizes = [1], strides = [1]} : vector<16xf32> to vector<1xf32>
            %squeeze3A_541 = vector.extract %slice3A_540[0] : f32 from vector<1xf32>
            %broadcast_in_dim3A_542 = vector.broadcast %squeeze3A_541 : f32 to vector<16xf32>
            %mul3A_543 = arith.mulf %mul3A_57, %broadcast_in_dim3A_533 : vector<16xf32>
            %mul3A_544 = arith.mulf %mul3A_65, %broadcast_in_dim3A_536 : vector<16xf32>
            %add3A_545 = arith.addf %mul3A_543, %mul3A_544 : vector<16xf32>
            %mul3A_546 = arith.mulf %mul3A_73, %broadcast_in_dim3A_539 : vector<16xf32>
            %add3A_547 = arith.addf %add3A_545, %mul3A_546 : vector<16xf32>
            %add3A_548 = arith.addf %get3A_76, %broadcast_in_dim3A_542 : vector<16xf32>
            %add3A_549 = arith.addf %add3A_548, %add3A_547 : vector<16xf32>
            %le3A_550 = arith.constant 1.210000e+00 : f32
            %le3A_551 = vector.broadcast %le3A_550 : f32 to vector<16xf32>
            %le3A_552 = arith.cmpf ole, %add3A_549, %le3A_551 : vector<16xf32>
            %jit3A_553 = arith.constant 1.000000e+00 : f32
            %jit3A_554 = arith.constant 0.000000e+00 : f32
            %broadcast_in_dim3A_555 = vector.broadcast %jit3A_553 : f32 to vector<16xf32>
            %broadcast_in_dim3A_556 = vector.broadcast %jit3A_554 : f32 to vector<16xf32>
            %select_n3A_557 = arith.select %le3A_552, %broadcast_in_dim3A_555, %broadcast_in_dim3A_556 : vector<16xi1>, vector<16xf32>
            %add3A_558 = arith.addf %add3A_530, %select_n3A_557 : vector<16xf32>
            %slice3A_559 = vector.extract_strided_slice %get3A_182 {offsets = [13], sizes = [1], strides = [1]} : vector<16xf32> to vector<1xf32>
            %squeeze3A_560 = vector.extract %slice3A_559[0] : f32 from vector<1xf32>
            %broadcast_in_dim3A_561 = vector.broadcast %squeeze3A_560 : f32 to vector<16xf32>
            %slice3A_562 = vector.extract_strided_slice %get3A_187 {offsets = [13], sizes = [1], strides = [1]} : vector<16xf32> to vector<1xf32>
            %squeeze3A_563 = vector.extract %slice3A_562[0] : f32 from vector<1xf32>
            %broadcast_in_dim3A_564 = vector.broadcast %squeeze3A_563 : f32 to vector<16xf32>
            %slice3A_565 = vector.extract_strided_slice %get3A_192 {offsets = [13], sizes = [1], strides = [1]} : vector<16xf32> to vector<1xf32>
            %squeeze3A_566 = vector.extract %slice3A_565[0] : f32 from vector<1xf32>
            %broadcast_in_dim3A_567 = vector.broadcast %squeeze3A_566 : f32 to vector<16xf32>
            %slice3A_568 = vector.extract_strided_slice %get3A_195 {offsets = [13], sizes = [1], strides = [1]} : vector<16xf32> to vector<1xf32>
            %squeeze3A_569 = vector.extract %slice3A_568[0] : f32 from vector<1xf32>
            %broadcast_in_dim3A_570 = vector.broadcast %squeeze3A_569 : f32 to vector<16xf32>
            %mul3A_571 = arith.mulf %mul3A_57, %broadcast_in_dim3A_561 : vector<16xf32>
            %mul3A_572 = arith.mulf %mul3A_65, %broadcast_in_dim3A_564 : vector<16xf32>
            %add3A_573 = arith.addf %mul3A_571, %mul3A_572 : vector<16xf32>
            %mul3A_574 = arith.mulf %mul3A_73, %broadcast_in_dim3A_567 : vector<16xf32>
            %add3A_575 = arith.addf %add3A_573, %mul3A_574 : vector<16xf32>
            %add3A_576 = arith.addf %get3A_76, %broadcast_in_dim3A_570 : vector<16xf32>
            %add3A_577 = arith.addf %add3A_576, %add3A_575 : vector<16xf32>
            %le3A_578 = arith.constant 1.210000e+00 : f32
            %le3A_579 = vector.broadcast %le3A_578 : f32 to vector<16xf32>
            %le3A_580 = arith.cmpf ole, %add3A_577, %le3A_579 : vector<16xf32>
            %jit3A_581 = arith.constant 1.000000e+00 : f32
            %jit3A_582 = arith.constant 0.000000e+00 : f32
            %broadcast_in_dim3A_583 = vector.broadcast %jit3A_581 : f32 to vector<16xf32>
            %broadcast_in_dim3A_584 = vector.broadcast %jit3A_582 : f32 to vector<16xf32>
            %select_n3A_585 = arith.select %le3A_580, %broadcast_in_dim3A_583, %broadcast_in_dim3A_584 : vector<16xi1>, vector<16xf32>
            %add3A_586 = arith.addf %add3A_558, %select_n3A_585 : vector<16xf32>
            %slice3A_587 = vector.extract_strided_slice %get3A_182 {offsets = [14], sizes = [1], strides = [1]} : vector<16xf32> to vector<1xf32>
            %squeeze3A_588 = vector.extract %slice3A_587[0] : f32 from vector<1xf32>
            %broadcast_in_dim3A_589 = vector.broadcast %squeeze3A_588 : f32 to vector<16xf32>
            %slice3A_590 = vector.extract_strided_slice %get3A_187 {offsets = [14], sizes = [1], strides = [1]} : vector<16xf32> to vector<1xf32>
            %squeeze3A_591 = vector.extract %slice3A_590[0] : f32 from vector<1xf32>
            %broadcast_in_dim3A_592 = vector.broadcast %squeeze3A_591 : f32 to vector<16xf32>
            %slice3A_593 = vector.extract_strided_slice %get3A_192 {offsets = [14], sizes = [1], strides = [1]} : vector<16xf32> to vector<1xf32>
            %squeeze3A_594 = vector.extract %slice3A_593[0] : f32 from vector<1xf32>
            %broadcast_in_dim3A_595 = vector.broadcast %squeeze3A_594 : f32 to vector<16xf32>
            %slice3A_596 = vector.extract_strided_slice %get3A_195 {offsets = [14], sizes = [1], strides = [1]} : vector<16xf32> to vector<1xf32>
            %squeeze3A_597 = vector.extract %slice3A_596[0] : f32 from vector<1xf32>
            %broadcast_in_dim3A_598 = vector.broadcast %squeeze3A_597 : f32 to vector<16xf32>
            %mul3A_599 = arith.mulf %mul3A_57, %broadcast_in_dim3A_589 : vector<16xf32>
            %mul3A_600 = arith.mulf %mul3A_65, %broadcast_in_dim3A_592 : vector<16xf32>
            %add3A_601 = arith.addf %mul3A_599, %mul3A_600 : vector<16xf32>
            %mul3A_602 = arith.mulf %mul3A_73, %broadcast_in_dim3A_595 : vector<16xf32>
            %add3A_603 = arith.addf %add3A_601, %mul3A_602 : vector<16xf32>
            %add3A_604 = arith.addf %get3A_76, %broadcast_in_dim3A_598 : vector<16xf32>
            %add3A_605 = arith.addf %add3A_604, %add3A_603 : vector<16xf32>
            %le3A_606 = arith.constant 1.210000e+00 : f32
            %le3A_607 = vector.broadcast %le3A_606 : f32 to vector<16xf32>
            %le3A_608 = arith.cmpf ole, %add3A_605, %le3A_607 : vector<16xf32>
            %jit3A_609 = arith.constant 1.000000e+00 : f32
            %jit3A_610 = arith.constant 0.000000e+00 : f32
            %broadcast_in_dim3A_611 = vector.broadcast %jit3A_609 : f32 to vector<16xf32>
            %broadcast_in_dim3A_612 = vector.broadcast %jit3A_610 : f32 to vector<16xf32>
            %select_n3A_613 = arith.select %le3A_608, %broadcast_in_dim3A_611, %broadcast_in_dim3A_612 : vector<16xi1>, vector<16xf32>
            %add3A_614 = arith.addf %add3A_586, %select_n3A_613 : vector<16xf32>
            %slice3A_615 = vector.extract_strided_slice %get3A_182 {offsets = [15], sizes = [1], strides = [1]} : vector<16xf32> to vector<1xf32>
            %squeeze3A_616 = vector.extract %slice3A_615[0] : f32 from vector<1xf32>
            %broadcast_in_dim3A_617 = vector.broadcast %squeeze3A_616 : f32 to vector<16xf32>
            %slice3A_618 = vector.extract_strided_slice %get3A_187 {offsets = [15], sizes = [1], strides = [1]} : vector<16xf32> to vector<1xf32>
            %squeeze3A_619 = vector.extract %slice3A_618[0] : f32 from vector<1xf32>
            %broadcast_in_dim3A_620 = vector.broadcast %squeeze3A_619 : f32 to vector<16xf32>
            %slice3A_621 = vector.extract_strided_slice %get3A_192 {offsets = [15], sizes = [1], strides = [1]} : vector<16xf32> to vector<1xf32>
            %squeeze3A_622 = vector.extract %slice3A_621[0] : f32 from vector<1xf32>
            %broadcast_in_dim3A_623 = vector.broadcast %squeeze3A_622 : f32 to vector<16xf32>
            %slice3A_624 = vector.extract_strided_slice %get3A_195 {offsets = [15], sizes = [1], strides = [1]} : vector<16xf32> to vector<1xf32>
            %squeeze3A_625 = vector.extract %slice3A_624[0] : f32 from vector<1xf32>
            %broadcast_in_dim3A_626 = vector.broadcast %squeeze3A_625 : f32 to vector<16xf32>
            %mul3A_627 = arith.mulf %mul3A_57, %broadcast_in_dim3A_617 : vector<16xf32>
            %mul3A_628 = arith.mulf %mul3A_65, %broadcast_in_dim3A_620 : vector<16xf32>
            %add3A_629 = arith.addf %mul3A_627, %mul3A_628 : vector<16xf32>
            %mul3A_630 = arith.mulf %mul3A_73, %broadcast_in_dim3A_623 : vector<16xf32>
            %add3A_631 = arith.addf %add3A_629, %mul3A_630 : vector<16xf32>
            %add3A_632 = arith.addf %get3A_76, %broadcast_in_dim3A_626 : vector<16xf32>
            %add3A_633 = arith.addf %add3A_632, %add3A_631 : vector<16xf32>
            %le3A_634 = arith.constant 1.210000e+00 : f32
            %le3A_635 = vector.broadcast %le3A_634 : f32 to vector<16xf32>
            %le3A_636 = arith.cmpf ole, %add3A_633, %le3A_635 : vector<16xf32>
            %jit3A_637 = arith.constant 1.000000e+00 : f32
            %jit3A_638 = arith.constant 0.000000e+00 : f32
            %broadcast_in_dim3A_639 = vector.broadcast %jit3A_637 : f32 to vector<16xf32>
            %broadcast_in_dim3A_640 = vector.broadcast %jit3A_638 : f32 to vector<16xf32>
            %select_n3A_641 = arith.select %le3A_636, %broadcast_in_dim3A_639, %broadcast_in_dim3A_640 : vector<16xi1>, vector<16xf32>
            %add3A_642 = arith.addf %add3A_614, %select_n3A_641 : vector<16xf32>
            scf.yield %add3A_642 : vector<16xf32>
          }
          %while3A_165 = arith.constant 1 : i32
          %while3A_166 = scf.for %while3A_171 = %while3A_162 to %while3A_158 step %while3A_165 iter_args(%while3A_172 = %while3A_164) -> (vector<16xf32>)  : i32 {
            %add3A_173 = arith.addi %add3A_48, %while3A_171 : i32
            %and3A_174 = arith.constant 127 : i32
            %and3A_175 = arith.andi %add3A_173, %and3A_174 : i32
            %mul3A_176 = arith.constant 16 : i32
            %mul3A_177 = arith.muli %and3A_175, %mul3A_176 : i32
            %get3A_178 = arith.constant 0 : i32
            %get3A_179 = arith.index_cast %get3A_178 : i32 to index
            %get3A_180 = arith.index_cast %mul3A_177 : i32 to index
            %get3A_181 = tpu.vector_load %arg5[%get3A_179, %get3A_180] {strides = array<i32>} : memref<3x2048xf32, #tpu.memory_space<vmem>>, vector<1x16xf32>,
            %get3A_182 = vector.shape_cast %get3A_181 : vector<1x16xf32> to vector<16xf32>
            %get3A_183 = arith.constant 1 : i32
            %get3A_184 = arith.index_cast %get3A_183 : i32 to index
            %get3A_185 = arith.index_cast %mul3A_177 : i32 to index
            %get3A_186 = tpu.vector_load %arg5[%get3A_184, %get3A_185] {strides = array<i32>} : memref<3x2048xf32, #tpu.memory_space<vmem>>, vector<1x16xf32>,
            %get3A_187 = vector.shape_cast %get3A_186 : vector<1x16xf32> to vector<16xf32>
            %get3A_188 = arith.constant 2 : i32
            %get3A_189 = arith.index_cast %get3A_188 : i32 to index
            %get3A_190 = arith.index_cast %mul3A_177 : i32 to index
            %get3A_191 = tpu.vector_load %arg5[%get3A_189, %get3A_190] {strides = array<i32>} : memref<3x2048xf32, #tpu.memory_space<vmem>>, vector<1x16xf32>,
            %get3A_192 = vector.shape_cast %get3A_191 : vector<1x16xf32> to vector<16xf32>
            %get3A_193 = arith.index_cast %mul3A_177 : i32 to index
            %get3A_194 = tpu.vector_load %arg6[%get3A_193] {strides = array<i32>} : memref<2048xf32, #tpu.memory_space<vmem>>, vector<16xf32>,
            %get3A_195 = vector.shape_cast %get3A_194 : vector<16xf32> to vector<16xf32>
            %slice3A_196 = vector.extract_strided_slice %get3A_182 {offsets = [0], sizes = [1], strides = [1]} : vector<16xf32> to vector<1xf32>
            %squeeze3A_197 = vector.extract %slice3A_196[0] : f32 from vector<1xf32>
            %broadcast_in_dim3A_198 = vector.broadcast %squeeze3A_197 : f32 to vector<16xf32>
            %slice3A_199 = vector.extract_strided_slice %get3A_187 {offsets = [0], sizes = [1], strides = [1]} : vector<16xf32> to vector<1xf32>
            %squeeze3A_200 = vector.extract %slice3A_199[0] : f32 from vector<1xf32>
            %broadcast_in_dim3A_201 = vector.broadcast %squeeze3A_200 : f32 to vector<16xf32>
            %slice3A_202 = vector.extract_strided_slice %get3A_192 {offsets = [0], sizes = [1], strides = [1]} : vector<16xf32> to vector<1xf32>
            %squeeze3A_203 = vector.extract %slice3A_202[0] : f32 from vector<1xf32>
            %broadcast_in_dim3A_204 = vector.broadcast %squeeze3A_203 : f32 to vector<16xf32>
            %slice3A_205 = vector.extract_strided_slice %get3A_195 {offsets = [0], sizes = [1], strides = [1]} : vector<16xf32> to vector<1xf32>
            %squeeze3A_206 = vector.extract %slice3A_205[0] : f32 from vector<1xf32>
            %broadcast_in_dim3A_207 = vector.broadcast %squeeze3A_206 : f32 to vector<16xf32>
            %mul3A_208 = arith.mulf %mul3A_57, %broadcast_in_dim3A_198 : vector<16xf32>
            %mul3A_209 = arith.mulf %mul3A_65, %broadcast_in_dim3A_201 : vector<16xf32>
            %add3A_210 = arith.addf %mul3A_208, %mul3A_209 : vector<16xf32>
            %mul3A_211 = arith.mulf %mul3A_73, %broadcast_in_dim3A_204 : vector<16xf32>
            %add3A_212 = arith.addf %add3A_210, %mul3A_211 : vector<16xf32>
            %add3A_213 = arith.addf %get3A_76, %broadcast_in_dim3A_207 : vector<16xf32>
            %add3A_214 = arith.addf %add3A_213, %add3A_212 : vector<16xf32>
            %le3A = arith.constant 1.210000e+00 : f32
            %le3A_215 = vector.broadcast %le3A : f32 to vector<16xf32>
            %le3A_216 = arith.cmpf ole, %add3A_214, %le3A_215 : vector<16xf32>
            %jit3A_217 = arith.constant 1.000000e+00 : f32
            %jit3A_218 = arith.constant 0.000000e+00 : f32
            %broadcast_in_dim3A_219 = vector.broadcast %jit3A_217 : f32 to vector<16xf32>
            %broadcast_in_dim3A_220 = vector.broadcast %jit3A_218 : f32 to vector<16xf32>
            %select_n3A_221 = arith.select %le3A_216, %broadcast_in_dim3A_219, %broadcast_in_dim3A_220 : vector<16xi1>, vector<16xf32>
            %add3A_222 = arith.addf %while3A_172, %select_n3A_221 : vector<16xf32>
            %slice3A_223 = vector.extract_strided_slice %get3A_182 {offsets = [1], sizes = [1], strides = [1]} : vector<16xf32> to vector<1xf32>
            %squeeze3A_224 = vector.extract %slice3A_223[0] : f32 from vector<1xf32>
            %broadcast_in_dim3A_225 = vector.broadcast %squeeze3A_224 : f32 to vector<16xf32>
            %slice3A_226 = vector.extract_strided_slice %get3A_187 {offsets = [1], sizes = [1], strides = [1]} : vector<16xf32> to vector<1xf32>
            %squeeze3A_227 = vector.extract %slice3A_226[0] : f32 from vector<1xf32>
            %broadcast_in_dim3A_228 = vector.broadcast %squeeze3A_227 : f32 to vector<16xf32>
            %slice3A_229 = vector.extract_strided_slice %get3A_192 {offsets = [1], sizes = [1], strides = [1]} : vector<16xf32> to vector<1xf32>
            %squeeze3A_230 = vector.extract %slice3A_229[0] : f32 from vector<1xf32>
            %broadcast_in_dim3A_231 = vector.broadcast %squeeze3A_230 : f32 to vector<16xf32>
            %slice3A_232 = vector.extract_strided_slice %get3A_195 {offsets = [1], sizes = [1], strides = [1]} : vector<16xf32> to vector<1xf32>
            %squeeze3A_233 = vector.extract %slice3A_232[0] : f32 from vector<1xf32>
            %broadcast_in_dim3A_234 = vector.broadcast %squeeze3A_233 : f32 to vector<16xf32>
            %mul3A_235 = arith.mulf %mul3A_57, %broadcast_in_dim3A_225 : vector<16xf32>
            %mul3A_236 = arith.mulf %mul3A_65, %broadcast_in_dim3A_228 : vector<16xf32>
            %add3A_237 = arith.addf %mul3A_235, %mul3A_236 : vector<16xf32>
            %mul3A_238 = arith.mulf %mul3A_73, %broadcast_in_dim3A_231 : vector<16xf32>
            %add3A_239 = arith.addf %add3A_237, %mul3A_238 : vector<16xf32>
            %add3A_240 = arith.addf %get3A_76, %broadcast_in_dim3A_234 : vector<16xf32>
            %add3A_241 = arith.addf %add3A_240, %add3A_239 : vector<16xf32>
            %le3A_242 = arith.constant 1.210000e+00 : f32
            %le3A_243 = vector.broadcast %le3A_242 : f32 to vector<16xf32>
            %le3A_244 = arith.cmpf ole, %add3A_241, %le3A_243 : vector<16xf32>
            %jit3A_245 = arith.constant 1.000000e+00 : f32
            %jit3A_246 = arith.constant 0.000000e+00 : f32
            %broadcast_in_dim3A_247 = vector.broadcast %jit3A_245 : f32 to vector<16xf32>
            %broadcast_in_dim3A_248 = vector.broadcast %jit3A_246 : f32 to vector<16xf32>
            %select_n3A_249 = arith.select %le3A_244, %broadcast_in_dim3A_247, %broadcast_in_dim3A_248 : vector<16xi1>, vector<16xf32>
            %add3A_250 = arith.addf %add3A_222, %select_n3A_249 : vector<16xf32>
            %slice3A_251 = vector.extract_strided_slice %get3A_182 {offsets = [2], sizes = [1], strides = [1]} : vector<16xf32> to vector<1xf32>
            %squeeze3A_252 = vector.extract %slice3A_251[0] : f32 from vector<1xf32>
            %broadcast_in_dim3A_253 = vector.broadcast %squeeze3A_252 : f32 to vector<16xf32>
            %slice3A_254 = vector.extract_strided_slice %get3A_187 {offsets = [2], sizes = [1], strides = [1]} : vector<16xf32> to vector<1xf32>
            %squeeze3A_255 = vector.extract %slice3A_254[0] : f32 from vector<1xf32>
            %broadcast_in_dim3A_256 = vector.broadcast %squeeze3A_255 : f32 to vector<16xf32>
            %slice3A_257 = vector.extract_strided_slice %get3A_192 {offsets = [2], sizes = [1], strides = [1]} : vector<16xf32> to vector<1xf32>
            %squeeze3A_258 = vector.extract %slice3A_257[0] : f32 from vector<1xf32>
            %broadcast_in_dim3A_259 = vector.broadcast %squeeze3A_258 : f32 to vector<16xf32>
            %slice3A_260 = vector.extract_strided_slice %get3A_195 {offsets = [2], sizes = [1], strides = [1]} : vector<16xf32> to vector<1xf32>
            %squeeze3A_261 = vector.extract %slice3A_260[0] : f32 from vector<1xf32>
            %broadcast_in_dim3A_262 = vector.broadcast %squeeze3A_261 : f32 to vector<16xf32>
            %mul3A_263 = arith.mulf %mul3A_57, %broadcast_in_dim3A_253 : vector<16xf32>
            %mul3A_264 = arith.mulf %mul3A_65, %broadcast_in_dim3A_256 : vector<16xf32>
            %add3A_265 = arith.addf %mul3A_263, %mul3A_264 : vector<16xf32>
            %mul3A_266 = arith.mulf %mul3A_73, %broadcast_in_dim3A_259 : vector<16xf32>
            %add3A_267 = arith.addf %add3A_265, %mul3A_266 : vector<16xf32>
            %add3A_268 = arith.addf %get3A_76, %broadcast_in_dim3A_262 : vector<16xf32>
            %add3A_269 = arith.addf %add3A_268, %add3A_267 : vector<16xf32>
            %le3A_270 = arith.constant 1.210000e+00 : f32
            %le3A_271 = vector.broadcast %le3A_270 : f32 to vector<16xf32>
            %le3A_272 = arith.cmpf ole, %add3A_269, %le3A_271 : vector<16xf32>
            %jit3A_273 = arith.constant 1.000000e+00 : f32
            %jit3A_274 = arith.constant 0.000000e+00 : f32
            %broadcast_in_dim3A_275 = vector.broadcast %jit3A_273 : f32 to vector<16xf32>
            %broadcast_in_dim3A_276 = vector.broadcast %jit3A_274 : f32 to vector<16xf32>
            %select_n3A_277 = arith.select %le3A_272, %broadcast_in_dim3A_275, %broadcast_in_dim3A_276 : vector<16xi1>, vector<16xf32>
            %add3A_278 = arith.addf %add3A_250, %select_n3A_277 : vector<16xf32>
            %slice3A_279 = vector.extract_strided_slice %get3A_182 {offsets = [3], sizes = [1], strides = [1]} : vector<16xf32> to vector<1xf32>
            %squeeze3A_280 = vector.extract %slice3A_279[0] : f32 from vector<1xf32>
            %broadcast_in_dim3A_281 = vector.broadcast %squeeze3A_280 : f32 to vector<16xf32>
            %slice3A_282 = vector.extract_strided_slice %get3A_187 {offsets = [3], sizes = [1], strides = [1]} : vector<16xf32> to vector<1xf32>
            %squeeze3A_283 = vector.extract %slice3A_282[0] : f32 from vector<1xf32>
            %broadcast_in_dim3A_284 = vector.broadcast %squeeze3A_283 : f32 to vector<16xf32>
            %slice3A_285 = vector.extract_strided_slice %get3A_192 {offsets = [3], sizes = [1], strides = [1]} : vector<16xf32> to vector<1xf32>
            %squeeze3A_286 = vector.extract %slice3A_285[0] : f32 from vector<1xf32>
            %broadcast_in_dim3A_287 = vector.broadcast %squeeze3A_286 : f32 to vector<16xf32>
            %slice3A_288 = vector.extract_strided_slice %get3A_195 {offsets = [3], sizes = [1], strides = [1]} : vector<16xf32> to vector<1xf32>
            %squeeze3A_289 = vector.extract %slice3A_288[0] : f32 from vector<1xf32>
            %broadcast_in_dim3A_290 = vector.broadcast %squeeze3A_289 : f32 to vector<16xf32>
            %mul3A_291 = arith.mulf %mul3A_57, %broadcast_in_dim3A_281 : vector<16xf32>
            %mul3A_292 = arith.mulf %mul3A_65, %broadcast_in_dim3A_284 : vector<16xf32>
            %add3A_293 = arith.addf %mul3A_291, %mul3A_292 : vector<16xf32>
            %mul3A_294 = arith.mulf %mul3A_73, %broadcast_in_dim3A_287 : vector<16xf32>
            %add3A_295 = arith.addf %add3A_293, %mul3A_294 : vector<16xf32>
            %add3A_296 = arith.addf %get3A_76, %broadcast_in_dim3A_290 : vector<16xf32>
            %add3A_297 = arith.addf %add3A_296, %add3A_295 : vector<16xf32>
            %le3A_298 = arith.constant 1.210000e+00 : f32
            %le3A_299 = vector.broadcast %le3A_298 : f32 to vector<16xf32>
            %le3A_300 = arith.cmpf ole, %add3A_297, %le3A_299 : vector<16xf32>
            %jit3A_301 = arith.constant 1.000000e+00 : f32
            %jit3A_302 = arith.constant 0.000000e+00 : f32
            %broadcast_in_dim3A_303 = vector.broadcast %jit3A_301 : f32 to vector<16xf32>
            %broadcast_in_dim3A_304 = vector.broadcast %jit3A_302 : f32 to vector<16xf32>
            %select_n3A_305 = arith.select %le3A_300, %broadcast_in_dim3A_303, %broadcast_in_dim3A_304 : vector<16xi1>, vector<16xf32>
            %add3A_306 = arith.addf %add3A_278, %select_n3A_305 : vector<16xf32>
            %slice3A_307 = vector.extract_strided_slice %get3A_182 {offsets = [4], sizes = [1], strides = [1]} : vector<16xf32> to vector<1xf32>
            %squeeze3A_308 = vector.extract %slice3A_307[0] : f32 from vector<1xf32>
            %broadcast_in_dim3A_309 = vector.broadcast %squeeze3A_308 : f32 to vector<16xf32>
            %slice3A_310 = vector.extract_strided_slice %get3A_187 {offsets = [4], sizes = [1], strides = [1]} : vector<16xf32> to vector<1xf32>
            %squeeze3A_311 = vector.extract %slice3A_310[0] : f32 from vector<1xf32>
            %broadcast_in_dim3A_312 = vector.broadcast %squeeze3A_311 : f32 to vector<16xf32>
            %slice3A_313 = vector.extract_strided_slice %get3A_192 {offsets = [4], sizes = [1], strides = [1]} : vector<16xf32> to vector<1xf32>
            %squeeze3A_314 = vector.extract %slice3A_313[0] : f32 from vector<1xf32>
            %broadcast_in_dim3A_315 = vector.broadcast %squeeze3A_314 : f32 to vector<16xf32>
            %slice3A_316 = vector.extract_strided_slice %get3A_195 {offsets = [4], sizes = [1], strides = [1]} : vector<16xf32> to vector<1xf32>
            %squeeze3A_317 = vector.extract %slice3A_316[0] : f32 from vector<1xf32>
            %broadcast_in_dim3A_318 = vector.broadcast %squeeze3A_317 : f32 to vector<16xf32>
            %mul3A_319 = arith.mulf %mul3A_57, %broadcast_in_dim3A_309 : vector<16xf32>
            %mul3A_320 = arith.mulf %mul3A_65, %broadcast_in_dim3A_312 : vector<16xf32>
            %add3A_321 = arith.addf %mul3A_319, %mul3A_320 : vector<16xf32>
            %mul3A_322 = arith.mulf %mul3A_73, %broadcast_in_dim3A_315 : vector<16xf32>
            %add3A_323 = arith.addf %add3A_321, %mul3A_322 : vector<16xf32>
            %add3A_324 = arith.addf %get3A_76, %broadcast_in_dim3A_318 : vector<16xf32>
            %add3A_325 = arith.addf %add3A_324, %add3A_323 : vector<16xf32>
            %le3A_326 = arith.constant 1.210000e+00 : f32
            %le3A_327 = vector.broadcast %le3A_326 : f32 to vector<16xf32>
            %le3A_328 = arith.cmpf ole, %add3A_325, %le3A_327 : vector<16xf32>
            %jit3A_329 = arith.constant 1.000000e+00 : f32
            %jit3A_330 = arith.constant 0.000000e+00 : f32
            %broadcast_in_dim3A_331 = vector.broadcast %jit3A_329 : f32 to vector<16xf32>
            %broadcast_in_dim3A_332 = vector.broadcast %jit3A_330 : f32 to vector<16xf32>
            %select_n3A_333 = arith.select %le3A_328, %broadcast_in_dim3A_331, %broadcast_in_dim3A_332 : vector<16xi1>, vector<16xf32>
            %add3A_334 = arith.addf %add3A_306, %select_n3A_333 : vector<16xf32>
            %slice3A_335 = vector.extract_strided_slice %get3A_182 {offsets = [5], sizes = [1], strides = [1]} : vector<16xf32> to vector<1xf32>
            %squeeze3A_336 = vector.extract %slice3A_335[0] : f32 from vector<1xf32>
            %broadcast_in_dim3A_337 = vector.broadcast %squeeze3A_336 : f32 to vector<16xf32>
            %slice3A_338 = vector.extract_strided_slice %get3A_187 {offsets = [5], sizes = [1], strides = [1]} : vector<16xf32> to vector<1xf32>
            %squeeze3A_339 = vector.extract %slice3A_338[0] : f32 from vector<1xf32>
            %broadcast_in_dim3A_340 = vector.broadcast %squeeze3A_339 : f32 to vector<16xf32>
            %slice3A_341 = vector.extract_strided_slice %get3A_192 {offsets = [5], sizes = [1], strides = [1]} : vector<16xf32> to vector<1xf32>
            %squeeze3A_342 = vector.extract %slice3A_341[0] : f32 from vector<1xf32>
            %broadcast_in_dim3A_343 = vector.broadcast %squeeze3A_342 : f32 to vector<16xf32>
            %slice3A_344 = vector.extract_strided_slice %get3A_195 {offsets = [5], sizes = [1], strides = [1]} : vector<16xf32> to vector<1xf32>
            %squeeze3A_345 = vector.extract %slice3A_344[0] : f32 from vector<1xf32>
            %broadcast_in_dim3A_346 = vector.broadcast %squeeze3A_345 : f32 to vector<16xf32>
            %mul3A_347 = arith.mulf %mul3A_57, %broadcast_in_dim3A_337 : vector<16xf32>
            %mul3A_348 = arith.mulf %mul3A_65, %broadcast_in_dim3A_340 : vector<16xf32>
            %add3A_349 = arith.addf %mul3A_347, %mul3A_348 : vector<16xf32>
            %mul3A_350 = arith.mulf %mul3A_73, %broadcast_in_dim3A_343 : vector<16xf32>
            %add3A_351 = arith.addf %add3A_349, %mul3A_350 : vector<16xf32>
            %add3A_352 = arith.addf %get3A_76, %broadcast_in_dim3A_346 : vector<16xf32>
            %add3A_353 = arith.addf %add3A_352, %add3A_351 : vector<16xf32>
            %le3A_354 = arith.constant 1.210000e+00 : f32
            %le3A_355 = vector.broadcast %le3A_354 : f32 to vector<16xf32>
            %le3A_356 = arith.cmpf ole, %add3A_353, %le3A_355 : vector<16xf32>
            %jit3A_357 = arith.constant 1.000000e+00 : f32
            %jit3A_358 = arith.constant 0.000000e+00 : f32
            %broadcast_in_dim3A_359 = vector.broadcast %jit3A_357 : f32 to vector<16xf32>
            %broadcast_in_dim3A_360 = vector.broadcast %jit3A_358 : f32 to vector<16xf32>
            %select_n3A_361 = arith.select %le3A_356, %broadcast_in_dim3A_359, %broadcast_in_dim3A_360 : vector<16xi1>, vector<16xf32>
            %add3A_362 = arith.addf %add3A_334, %select_n3A_361 : vector<16xf32>
            %slice3A_363 = vector.extract_strided_slice %get3A_182 {offsets = [6], sizes = [1], strides = [1]} : vector<16xf32> to vector<1xf32>
            %squeeze3A_364 = vector.extract %slice3A_363[0] : f32 from vector<1xf32>
            %broadcast_in_dim3A_365 = vector.broadcast %squeeze3A_364 : f32 to vector<16xf32>
            %slice3A_366 = vector.extract_strided_slice %get3A_187 {offsets = [6], sizes = [1], strides = [1]} : vector<16xf32> to vector<1xf32>
            %squeeze3A_367 = vector.extract %slice3A_366[0] : f32 from vector<1xf32>
            %broadcast_in_dim3A_368 = vector.broadcast %squeeze3A_367 : f32 to vector<16xf32>
            %slice3A_369 = vector.extract_strided_slice %get3A_192 {offsets = [6], sizes = [1], strides = [1]} : vector<16xf32> to vector<1xf32>
            %squeeze3A_370 = vector.extract %slice3A_369[0] : f32 from vector<1xf32>
            %broadcast_in_dim3A_371 = vector.broadcast %squeeze3A_370 : f32 to vector<16xf32>
            %slice3A_372 = vector.extract_strided_slice %get3A_195 {offsets = [6], sizes = [1], strides = [1]} : vector<16xf32> to vector<1xf32>
            %squeeze3A_373 = vector.extract %slice3A_372[0] : f32 from vector<1xf32>
            %broadcast_in_dim3A_374 = vector.broadcast %squeeze3A_373 : f32 to vector<16xf32>
            %mul3A_375 = arith.mulf %mul3A_57, %broadcast_in_dim3A_365 : vector<16xf32>
            %mul3A_376 = arith.mulf %mul3A_65, %broadcast_in_dim3A_368 : vector<16xf32>
            %add3A_377 = arith.addf %mul3A_375, %mul3A_376 : vector<16xf32>
            %mul3A_378 = arith.mulf %mul3A_73, %broadcast_in_dim3A_371 : vector<16xf32>
            %add3A_379 = arith.addf %add3A_377, %mul3A_378 : vector<16xf32>
            %add3A_380 = arith.addf %get3A_76, %broadcast_in_dim3A_374 : vector<16xf32>
            %add3A_381 = arith.addf %add3A_380, %add3A_379 : vector<16xf32>
            %le3A_382 = arith.constant 1.210000e+00 : f32
            %le3A_383 = vector.broadcast %le3A_382 : f32 to vector<16xf32>
            %le3A_384 = arith.cmpf ole, %add3A_381, %le3A_383 : vector<16xf32>
            %jit3A_385 = arith.constant 1.000000e+00 : f32
            %jit3A_386 = arith.constant 0.000000e+00 : f32
            %broadcast_in_dim3A_387 = vector.broadcast %jit3A_385 : f32 to vector<16xf32>
            %broadcast_in_dim3A_388 = vector.broadcast %jit3A_386 : f32 to vector<16xf32>
            %select_n3A_389 = arith.select %le3A_384, %broadcast_in_dim3A_387, %broadcast_in_dim3A_388 : vector<16xi1>, vector<16xf32>
            %add3A_390 = arith.addf %add3A_362, %select_n3A_389 : vector<16xf32>
            %slice3A_391 = vector.extract_strided_slice %get3A_182 {offsets = [7], sizes = [1], strides = [1]} : vector<16xf32> to vector<1xf32>
            %squeeze3A_392 = vector.extract %slice3A_391[0] : f32 from vector<1xf32>
            %broadcast_in_dim3A_393 = vector.broadcast %squeeze3A_392 : f32 to vector<16xf32>
            %slice3A_394 = vector.extract_strided_slice %get3A_187 {offsets = [7], sizes = [1], strides = [1]} : vector<16xf32> to vector<1xf32>
            %squeeze3A_395 = vector.extract %slice3A_394[0] : f32 from vector<1xf32>
            %broadcast_in_dim3A_396 = vector.broadcast %squeeze3A_395 : f32 to vector<16xf32>
            %slice3A_397 = vector.extract_strided_slice %get3A_192 {offsets = [7], sizes = [1], strides = [1]} : vector<16xf32> to vector<1xf32>
            %squeeze3A_398 = vector.extract %slice3A_397[0] : f32 from vector<1xf32>
            %broadcast_in_dim3A_399 = vector.broadcast %squeeze3A_398 : f32 to vector<16xf32>
            %slice3A_400 = vector.extract_strided_slice %get3A_195 {offsets = [7], sizes = [1], strides = [1]} : vector<16xf32> to vector<1xf32>
            %squeeze3A_401 = vector.extract %slice3A_400[0] : f32 from vector<1xf32>
            %broadcast_in_dim3A_402 = vector.broadcast %squeeze3A_401 : f32 to vector<16xf32>
            %mul3A_403 = arith.mulf %mul3A_57, %broadcast_in_dim3A_393 : vector<16xf32>
            %mul3A_404 = arith.mulf %mul3A_65, %broadcast_in_dim3A_396 : vector<16xf32>
            %add3A_405 = arith.addf %mul3A_403, %mul3A_404 : vector<16xf32>
            %mul3A_406 = arith.mulf %mul3A_73, %broadcast_in_dim3A_399 : vector<16xf32>
            %add3A_407 = arith.addf %add3A_405, %mul3A_406 : vector<16xf32>
            %add3A_408 = arith.addf %get3A_76, %broadcast_in_dim3A_402 : vector<16xf32>
            %add3A_409 = arith.addf %add3A_408, %add3A_407 : vector<16xf32>
            %le3A_410 = arith.constant 1.210000e+00 : f32
            %le3A_411 = vector.broadcast %le3A_410 : f32 to vector<16xf32>
            %le3A_412 = arith.cmpf ole, %add3A_409, %le3A_411 : vector<16xf32>
            %jit3A_413 = arith.constant 1.000000e+00 : f32
            %jit3A_414 = arith.constant 0.000000e+00 : f32
            %broadcast_in_dim3A_415 = vector.broadcast %jit3A_413 : f32 to vector<16xf32>
            %broadcast_in_dim3A_416 = vector.broadcast %jit3A_414 : f32 to vector<16xf32>
            %select_n3A_417 = arith.select %le3A_412, %broadcast_in_dim3A_415, %broadcast_in_dim3A_416 : vector<16xi1>, vector<16xf32>
            %add3A_418 = arith.addf %add3A_390, %select_n3A_417 : vector<16xf32>
            %slice3A_419 = vector.extract_strided_slice %get3A_182 {offsets = [8], sizes = [1], strides = [1]} : vector<16xf32> to vector<1xf32>
            %squeeze3A_420 = vector.extract %slice3A_419[0] : f32 from vector<1xf32>
            %broadcast_in_dim3A_421 = vector.broadcast %squeeze3A_420 : f32 to vector<16xf32>
            %slice3A_422 = vector.extract_strided_slice %get3A_187 {offsets = [8], sizes = [1], strides = [1]} : vector<16xf32> to vector<1xf32>
            %squeeze3A_423 = vector.extract %slice3A_422[0] : f32 from vector<1xf32>
            %broadcast_in_dim3A_424 = vector.broadcast %squeeze3A_423 : f32 to vector<16xf32>
            %slice3A_425 = vector.extract_strided_slice %get3A_192 {offsets = [8], sizes = [1], strides = [1]} : vector<16xf32> to vector<1xf32>
            %squeeze3A_426 = vector.extract %slice3A_425[0] : f32 from vector<1xf32>
            %broadcast_in_dim3A_427 = vector.broadcast %squeeze3A_426 : f32 to vector<16xf32>
            %slice3A_428 = vector.extract_strided_slice %get3A_195 {offsets = [8], sizes = [1], strides = [1]} : vector<16xf32> to vector<1xf32>
            %squeeze3A_429 = vector.extract %slice3A_428[0] : f32 from vector<1xf32>
            %broadcast_in_dim3A_430 = vector.broadcast %squeeze3A_429 : f32 to vector<16xf32>
            %mul3A_431 = arith.mulf %mul3A_57, %broadcast_in_dim3A_421 : vector<16xf32>
            %mul3A_432 = arith.mulf %mul3A_65, %broadcast_in_dim3A_424 : vector<16xf32>
            %add3A_433 = arith.addf %mul3A_431, %mul3A_432 : vector<16xf32>
            %mul3A_434 = arith.mulf %mul3A_73, %broadcast_in_dim3A_427 : vector<16xf32>
            %add3A_435 = arith.addf %add3A_433, %mul3A_434 : vector<16xf32>
            %add3A_436 = arith.addf %get3A_76, %broadcast_in_dim3A_430 : vector<16xf32>
            %add3A_437 = arith.addf %add3A_436, %add3A_435 : vector<16xf32>
            %le3A_438 = arith.constant 1.210000e+00 : f32
            %le3A_439 = vector.broadcast %le3A_438 : f32 to vector<16xf32>
            %le3A_440 = arith.cmpf ole, %add3A_437, %le3A_439 : vector<16xf32>
            %jit3A_441 = arith.constant 1.000000e+00 : f32
            %jit3A_442 = arith.constant 0.000000e+00 : f32
            %broadcast_in_dim3A_443 = vector.broadcast %jit3A_441 : f32 to vector<16xf32>
            %broadcast_in_dim3A_444 = vector.broadcast %jit3A_442 : f32 to vector<16xf32>
            %select_n3A_445 = arith.select %le3A_440, %broadcast_in_dim3A_443, %broadcast_in_dim3A_444 : vector<16xi1>, vector<16xf32>
            %add3A_446 = arith.addf %add3A_418, %select_n3A_445 : vector<16xf32>
            %slice3A_447 = vector.extract_strided_slice %get3A_182 {offsets = [9], sizes = [1], strides = [1]} : vector<16xf32> to vector<1xf32>
            %squeeze3A_448 = vector.extract %slice3A_447[0] : f32 from vector<1xf32>
            %broadcast_in_dim3A_449 = vector.broadcast %squeeze3A_448 : f32 to vector<16xf32>
            %slice3A_450 = vector.extract_strided_slice %get3A_187 {offsets = [9], sizes = [1], strides = [1]} : vector<16xf32> to vector<1xf32>
            %squeeze3A_451 = vector.extract %slice3A_450[0] : f32 from vector<1xf32>
            %broadcast_in_dim3A_452 = vector.broadcast %squeeze3A_451 : f32 to vector<16xf32>
            %slice3A_453 = vector.extract_strided_slice %get3A_192 {offsets = [9], sizes = [1], strides = [1]} : vector<16xf32> to vector<1xf32>
            %squeeze3A_454 = vector.extract %slice3A_453[0] : f32 from vector<1xf32>
            %broadcast_in_dim3A_455 = vector.broadcast %squeeze3A_454 : f32 to vector<16xf32>
            %slice3A_456 = vector.extract_strided_slice %get3A_195 {offsets = [9], sizes = [1], strides = [1]} : vector<16xf32> to vector<1xf32>
            %squeeze3A_457 = vector.extract %slice3A_456[0] : f32 from vector<1xf32>
            %broadcast_in_dim3A_458 = vector.broadcast %squeeze3A_457 : f32 to vector<16xf32>
            %mul3A_459 = arith.mulf %mul3A_57, %broadcast_in_dim3A_449 : vector<16xf32>
            %mul3A_460 = arith.mulf %mul3A_65, %broadcast_in_dim3A_452 : vector<16xf32>
            %add3A_461 = arith.addf %mul3A_459, %mul3A_460 : vector<16xf32>
            %mul3A_462 = arith.mulf %mul3A_73, %broadcast_in_dim3A_455 : vector<16xf32>
            %add3A_463 = arith.addf %add3A_461, %mul3A_462 : vector<16xf32>
            %add3A_464 = arith.addf %get3A_76, %broadcast_in_dim3A_458 : vector<16xf32>
            %add3A_465 = arith.addf %add3A_464, %add3A_463 : vector<16xf32>
            %le3A_466 = arith.constant 1.210000e+00 : f32
            %le3A_467 = vector.broadcast %le3A_466 : f32 to vector<16xf32>
            %le3A_468 = arith.cmpf ole, %add3A_465, %le3A_467 : vector<16xf32>
            %jit3A_469 = arith.constant 1.000000e+00 : f32
            %jit3A_470 = arith.constant 0.000000e+00 : f32
            %broadcast_in_dim3A_471 = vector.broadcast %jit3A_469 : f32 to vector<16xf32>
            %broadcast_in_dim3A_472 = vector.broadcast %jit3A_470 : f32 to vector<16xf32>
            %select_n3A_473 = arith.select %le3A_468, %broadcast_in_dim3A_471, %broadcast_in_dim3A_472 : vector<16xi1>, vector<16xf32>
            %add3A_474 = arith.addf %add3A_446, %select_n3A_473 : vector<16xf32>
            %slice3A_475 = vector.extract_strided_slice %get3A_182 {offsets = [10], sizes = [1], strides = [1]} : vector<16xf32> to vector<1xf32>
            %squeeze3A_476 = vector.extract %slice3A_475[0] : f32 from vector<1xf32>
            %broadcast_in_dim3A_477 = vector.broadcast %squeeze3A_476 : f32 to vector<16xf32>
            %slice3A_478 = vector.extract_strided_slice %get3A_187 {offsets = [10], sizes = [1], strides = [1]} : vector<16xf32> to vector<1xf32>
            %squeeze3A_479 = vector.extract %slice3A_478[0] : f32 from vector<1xf32>
            %broadcast_in_dim3A_480 = vector.broadcast %squeeze3A_479 : f32 to vector<16xf32>
            %slice3A_481 = vector.extract_strided_slice %get3A_192 {offsets = [10], sizes = [1], strides = [1]} : vector<16xf32> to vector<1xf32>
            %squeeze3A_482 = vector.extract %slice3A_481[0] : f32 from vector<1xf32>
            %broadcast_in_dim3A_483 = vector.broadcast %squeeze3A_482 : f32 to vector<16xf32>
            %slice3A_484 = vector.extract_strided_slice %get3A_195 {offsets = [10], sizes = [1], strides = [1]} : vector<16xf32> to vector<1xf32>
            %squeeze3A_485 = vector.extract %slice3A_484[0] : f32 from vector<1xf32>
            %broadcast_in_dim3A_486 = vector.broadcast %squeeze3A_485 : f32 to vector<16xf32>
            %mul3A_487 = arith.mulf %mul3A_57, %broadcast_in_dim3A_477 : vector<16xf32>
            %mul3A_488 = arith.mulf %mul3A_65, %broadcast_in_dim3A_480 : vector<16xf32>
            %add3A_489 = arith.addf %mul3A_487, %mul3A_488 : vector<16xf32>
            %mul3A_490 = arith.mulf %mul3A_73, %broadcast_in_dim3A_483 : vector<16xf32>
            %add3A_491 = arith.addf %add3A_489, %mul3A_490 : vector<16xf32>
            %add3A_492 = arith.addf %get3A_76, %broadcast_in_dim3A_486 : vector<16xf32>
            %add3A_493 = arith.addf %add3A_492, %add3A_491 : vector<16xf32>
            %le3A_494 = arith.constant 1.210000e+00 : f32
            %le3A_495 = vector.broadcast %le3A_494 : f32 to vector<16xf32>
            %le3A_496 = arith.cmpf ole, %add3A_493, %le3A_495 : vector<16xf32>
            %jit3A_497 = arith.constant 1.000000e+00 : f32
            %jit3A_498 = arith.constant 0.000000e+00 : f32
            %broadcast_in_dim3A_499 = vector.broadcast %jit3A_497 : f32 to vector<16xf32>
            %broadcast_in_dim3A_500 = vector.broadcast %jit3A_498 : f32 to vector<16xf32>
            %select_n3A_501 = arith.select %le3A_496, %broadcast_in_dim3A_499, %broadcast_in_dim3A_500 : vector<16xi1>, vector<16xf32>
            %add3A_502 = arith.addf %add3A_474, %select_n3A_501 : vector<16xf32>
            %slice3A_503 = vector.extract_strided_slice %get3A_182 {offsets = [11], sizes = [1], strides = [1]} : vector<16xf32> to vector<1xf32>
            %squeeze3A_504 = vector.extract %slice3A_503[0] : f32 from vector<1xf32>
            %broadcast_in_dim3A_505 = vector.broadcast %squeeze3A_504 : f32 to vector<16xf32>
            %slice3A_506 = vector.extract_strided_slice %get3A_187 {offsets = [11], sizes = [1], strides = [1]} : vector<16xf32> to vector<1xf32>
            %squeeze3A_507 = vector.extract %slice3A_506[0] : f32 from vector<1xf32>
            %broadcast_in_dim3A_508 = vector.broadcast %squeeze3A_507 : f32 to vector<16xf32>
            %slice3A_509 = vector.extract_strided_slice %get3A_192 {offsets = [11], sizes = [1], strides = [1]} : vector<16xf32> to vector<1xf32>
            %squeeze3A_510 = vector.extract %slice3A_509[0] : f32 from vector<1xf32>
            %broadcast_in_dim3A_511 = vector.broadcast %squeeze3A_510 : f32 to vector<16xf32>
            %slice3A_512 = vector.extract_strided_slice %get3A_195 {offsets = [11], sizes = [1], strides = [1]} : vector<16xf32> to vector<1xf32>
            %squeeze3A_513 = vector.extract %slice3A_512[0] : f32 from vector<1xf32>
            %broadcast_in_dim3A_514 = vector.broadcast %squeeze3A_513 : f32 to vector<16xf32>
            %mul3A_515 = arith.mulf %mul3A_57, %broadcast_in_dim3A_505 : vector<16xf32>
            %mul3A_516 = arith.mulf %mul3A_65, %broadcast_in_dim3A_508 : vector<16xf32>
            %add3A_517 = arith.addf %mul3A_515, %mul3A_516 : vector<16xf32>
            %mul3A_518 = arith.mulf %mul3A_73, %broadcast_in_dim3A_511 : vector<16xf32>
            %add3A_519 = arith.addf %add3A_517, %mul3A_518 : vector<16xf32>
            %add3A_520 = arith.addf %get3A_76, %broadcast_in_dim3A_514 : vector<16xf32>
            %add3A_521 = arith.addf %add3A_520, %add3A_519 : vector<16xf32>
            %le3A_522 = arith.constant 1.210000e+00 : f32
            %le3A_523 = vector.broadcast %le3A_522 : f32 to vector<16xf32>
            %le3A_524 = arith.cmpf ole, %add3A_521, %le3A_523 : vector<16xf32>
            %jit3A_525 = arith.constant 1.000000e+00 : f32
            %jit3A_526 = arith.constant 0.000000e+00 : f32
            %broadcast_in_dim3A_527 = vector.broadcast %jit3A_525 : f32 to vector<16xf32>
            %broadcast_in_dim3A_528 = vector.broadcast %jit3A_526 : f32 to vector<16xf32>
            %select_n3A_529 = arith.select %le3A_524, %broadcast_in_dim3A_527, %broadcast_in_dim3A_528 : vector<16xi1>, vector<16xf32>
            %add3A_530 = arith.addf %add3A_502, %select_n3A_529 : vector<16xf32>
            %slice3A_531 = vector.extract_strided_slice %get3A_182 {offsets = [12], sizes = [1], strides = [1]} : vector<16xf32> to vector<1xf32>
            %squeeze3A_532 = vector.extract %slice3A_531[0] : f32 from vector<1xf32>
            %broadcast_in_dim3A_533 = vector.broadcast %squeeze3A_532 : f32 to vector<16xf32>
            %slice3A_534 = vector.extract_strided_slice %get3A_187 {offsets = [12], sizes = [1], strides = [1]} : vector<16xf32> to vector<1xf32>
            %squeeze3A_535 = vector.extract %slice3A_534[0] : f32 from vector<1xf32>
            %broadcast_in_dim3A_536 = vector.broadcast %squeeze3A_535 : f32 to vector<16xf32>
            %slice3A_537 = vector.extract_strided_slice %get3A_192 {offsets = [12], sizes = [1], strides = [1]} : vector<16xf32> to vector<1xf32>
            %squeeze3A_538 = vector.extract %slice3A_537[0] : f32 from vector<1xf32>
            %broadcast_in_dim3A_539 = vector.broadcast %squeeze3A_538 : f32 to vector<16xf32>
            %slice3A_540 = vector.extract_strided_slice %get3A_195 {offsets = [12], sizes = [1], strides = [1]} : vector<16xf32> to vector<1xf32>
            %squeeze3A_541 = vector.extract %slice3A_540[0] : f32 from vector<1xf32>
            %broadcast_in_dim3A_542 = vector.broadcast %squeeze3A_541 : f32 to vector<16xf32>
            %mul3A_543 = arith.mulf %mul3A_57, %broadcast_in_dim3A_533 : vector<16xf32>
            %mul3A_544 = arith.mulf %mul3A_65, %broadcast_in_dim3A_536 : vector<16xf32>
            %add3A_545 = arith.addf %mul3A_543, %mul3A_544 : vector<16xf32>
            %mul3A_546 = arith.mulf %mul3A_73, %broadcast_in_dim3A_539 : vector<16xf32>
            %add3A_547 = arith.addf %add3A_545, %mul3A_546 : vector<16xf32>
            %add3A_548 = arith.addf %get3A_76, %broadcast_in_dim3A_542 : vector<16xf32>
            %add3A_549 = arith.addf %add3A_548, %add3A_547 : vector<16xf32>
            %le3A_550 = arith.constant 1.210000e+00 : f32
            %le3A_551 = vector.broadcast %le3A_550 : f32 to vector<16xf32>
            %le3A_552 = arith.cmpf ole, %add3A_549, %le3A_551 : vector<16xf32>
            %jit3A_553 = arith.constant 1.000000e+00 : f32
            %jit3A_554 = arith.constant 0.000000e+00 : f32
            %broadcast_in_dim3A_555 = vector.broadcast %jit3A_553 : f32 to vector<16xf32>
            %broadcast_in_dim3A_556 = vector.broadcast %jit3A_554 : f32 to vector<16xf32>
            %select_n3A_557 = arith.select %le3A_552, %broadcast_in_dim3A_555, %broadcast_in_dim3A_556 : vector<16xi1>, vector<16xf32>
            %add3A_558 = arith.addf %add3A_530, %select_n3A_557 : vector<16xf32>
            %slice3A_559 = vector.extract_strided_slice %get3A_182 {offsets = [13], sizes = [1], strides = [1]} : vector<16xf32> to vector<1xf32>
            %squeeze3A_560 = vector.extract %slice3A_559[0] : f32 from vector<1xf32>
            %broadcast_in_dim3A_561 = vector.broadcast %squeeze3A_560 : f32 to vector<16xf32>
            %slice3A_562 = vector.extract_strided_slice %get3A_187 {offsets = [13], sizes = [1], strides = [1]} : vector<16xf32> to vector<1xf32>
            %squeeze3A_563 = vector.extract %slice3A_562[0] : f32 from vector<1xf32>
            %broadcast_in_dim3A_564 = vector.broadcast %squeeze3A_563 : f32 to vector<16xf32>
            %slice3A_565 = vector.extract_strided_slice %get3A_192 {offsets = [13], sizes = [1], strides = [1]} : vector<16xf32> to vector<1xf32>
            %squeeze3A_566 = vector.extract %slice3A_565[0] : f32 from vector<1xf32>
            %broadcast_in_dim3A_567 = vector.broadcast %squeeze3A_566 : f32 to vector<16xf32>
            %slice3A_568 = vector.extract_strided_slice %get3A_195 {offsets = [13], sizes = [1], strides = [1]} : vector<16xf32> to vector<1xf32>
            %squeeze3A_569 = vector.extract %slice3A_568[0] : f32 from vector<1xf32>
            %broadcast_in_dim3A_570 = vector.broadcast %squeeze3A_569 : f32 to vector<16xf32>
            %mul3A_571 = arith.mulf %mul3A_57, %broadcast_in_dim3A_561 : vector<16xf32>
            %mul3A_572 = arith.mulf %mul3A_65, %broadcast_in_dim3A_564 : vector<16xf32>
            %add3A_573 = arith.addf %mul3A_571, %mul3A_572 : vector<16xf32>
            %mul3A_574 = arith.mulf %mul3A_73, %broadcast_in_dim3A_567 : vector<16xf32>
            %add3A_575 = arith.addf %add3A_573, %mul3A_574 : vector<16xf32>
            %add3A_576 = arith.addf %get3A_76, %broadcast_in_dim3A_570 : vector<16xf32>
            %add3A_577 = arith.addf %add3A_576, %add3A_575 : vector<16xf32>
            %le3A_578 = arith.constant 1.210000e+00 : f32
            %le3A_579 = vector.broadcast %le3A_578 : f32 to vector<16xf32>
            %le3A_580 = arith.cmpf ole, %add3A_577, %le3A_579 : vector<16xf32>
            %jit3A_581 = arith.constant 1.000000e+00 : f32
            %jit3A_582 = arith.constant 0.000000e+00 : f32
            %broadcast_in_dim3A_583 = vector.broadcast %jit3A_581 : f32 to vector<16xf32>
            %broadcast_in_dim3A_584 = vector.broadcast %jit3A_582 : f32 to vector<16xf32>
            %select_n3A_585 = arith.select %le3A_580, %broadcast_in_dim3A_583, %broadcast_in_dim3A_584 : vector<16xi1>, vector<16xf32>
            %add3A_586 = arith.addf %add3A_558, %select_n3A_585 : vector<16xf32>
            %slice3A_587 = vector.extract_strided_slice %get3A_182 {offsets = [14], sizes = [1], strides = [1]} : vector<16xf32> to vector<1xf32>
            %squeeze3A_588 = vector.extract %slice3A_587[0] : f32 from vector<1xf32>
            %broadcast_in_dim3A_589 = vector.broadcast %squeeze3A_588 : f32 to vector<16xf32>
            %slice3A_590 = vector.extract_strided_slice %get3A_187 {offsets = [14], sizes = [1], strides = [1]} : vector<16xf32> to vector<1xf32>
            %squeeze3A_591 = vector.extract %slice3A_590[0] : f32 from vector<1xf32>
            %broadcast_in_dim3A_592 = vector.broadcast %squeeze3A_591 : f32 to vector<16xf32>
            %slice3A_593 = vector.extract_strided_slice %get3A_192 {offsets = [14], sizes = [1], strides = [1]} : vector<16xf32> to vector<1xf32>
            %squeeze3A_594 = vector.extract %slice3A_593[0] : f32 from vector<1xf32>
            %broadcast_in_dim3A_595 = vector.broadcast %squeeze3A_594 : f32 to vector<16xf32>
            %slice3A_596 = vector.extract_strided_slice %get3A_195 {offsets = [14], sizes = [1], strides = [1]} : vector<16xf32> to vector<1xf32>
            %squeeze3A_597 = vector.extract %slice3A_596[0] : f32 from vector<1xf32>
            %broadcast_in_dim3A_598 = vector.broadcast %squeeze3A_597 : f32 to vector<16xf32>
            %mul3A_599 = arith.mulf %mul3A_57, %broadcast_in_dim3A_589 : vector<16xf32>
            %mul3A_600 = arith.mulf %mul3A_65, %broadcast_in_dim3A_592 : vector<16xf32>
            %add3A_601 = arith.addf %mul3A_599, %mul3A_600 : vector<16xf32>
            %mul3A_602 = arith.mulf %mul3A_73, %broadcast_in_dim3A_595 : vector<16xf32>
            %add3A_603 = arith.addf %add3A_601, %mul3A_602 : vector<16xf32>
            %add3A_604 = arith.addf %get3A_76, %broadcast_in_dim3A_598 : vector<16xf32>
            %add3A_605 = arith.addf %add3A_604, %add3A_603 : vector<16xf32>
            %le3A_606 = arith.constant 1.210000e+00 : f32
            %le3A_607 = vector.broadcast %le3A_606 : f32 to vector<16xf32>
            %le3A_608 = arith.cmpf ole, %add3A_605, %le3A_607 : vector<16xf32>
            %jit3A_609 = arith.constant 1.000000e+00 : f32
            %jit3A_610 = arith.constant 0.000000e+00 : f32
            %broadcast_in_dim3A_611 = vector.broadcast %jit3A_609 : f32 to vector<16xf32>
            %broadcast_in_dim3A_612 = vector.broadcast %jit3A_610 : f32 to vector<16xf32>
            %select_n3A_613 = arith.select %le3A_608, %broadcast_in_dim3A_611, %broadcast_in_dim3A_612 : vector<16xi1>, vector<16xf32>
            %add3A_614 = arith.addf %add3A_586, %select_n3A_613 : vector<16xf32>
            %slice3A_615 = vector.extract_strided_slice %get3A_182 {offsets = [15], sizes = [1], strides = [1]} : vector<16xf32> to vector<1xf32>
            %squeeze3A_616 = vector.extract %slice3A_615[0] : f32 from vector<1xf32>
            %broadcast_in_dim3A_617 = vector.broadcast %squeeze3A_616 : f32 to vector<16xf32>
            %slice3A_618 = vector.extract_strided_slice %get3A_187 {offsets = [15], sizes = [1], strides = [1]} : vector<16xf32> to vector<1xf32>
            %squeeze3A_619 = vector.extract %slice3A_618[0] : f32 from vector<1xf32>
            %broadcast_in_dim3A_620 = vector.broadcast %squeeze3A_619 : f32 to vector<16xf32>
            %slice3A_621 = vector.extract_strided_slice %get3A_192 {offsets = [15], sizes = [1], strides = [1]} : vector<16xf32> to vector<1xf32>
            %squeeze3A_622 = vector.extract %slice3A_621[0] : f32 from vector<1xf32>
            %broadcast_in_dim3A_623 = vector.broadcast %squeeze3A_622 : f32 to vector<16xf32>
            %slice3A_624 = vector.extract_strided_slice %get3A_195 {offsets = [15], sizes = [1], strides = [1]} : vector<16xf32> to vector<1xf32>
            %squeeze3A_625 = vector.extract %slice3A_624[0] : f32 from vector<1xf32>
            %broadcast_in_dim3A_626 = vector.broadcast %squeeze3A_625 : f32 to vector<16xf32>
            %mul3A_627 = arith.mulf %mul3A_57, %broadcast_in_dim3A_617 : vector<16xf32>
            %mul3A_628 = arith.mulf %mul3A_65, %broadcast_in_dim3A_620 : vector<16xf32>
            %add3A_629 = arith.addf %mul3A_627, %mul3A_628 : vector<16xf32>
            %mul3A_630 = arith.mulf %mul3A_73, %broadcast_in_dim3A_623 : vector<16xf32>
            %add3A_631 = arith.addf %add3A_629, %mul3A_630 : vector<16xf32>
            %add3A_632 = arith.addf %get3A_76, %broadcast_in_dim3A_626 : vector<16xf32>
            %add3A_633 = arith.addf %add3A_632, %add3A_631 : vector<16xf32>
            %le3A_634 = arith.constant 1.210000e+00 : f32
            %le3A_635 = vector.broadcast %le3A_634 : f32 to vector<16xf32>
            %le3A_636 = arith.cmpf ole, %add3A_633, %le3A_635 : vector<16xf32>
            %jit3A_637 = arith.constant 1.000000e+00 : f32
            %jit3A_638 = arith.constant 0.000000e+00 : f32
            %broadcast_in_dim3A_639 = vector.broadcast %jit3A_637 : f32 to vector<16xf32>
            %broadcast_in_dim3A_640 = vector.broadcast %jit3A_638 : f32 to vector<16xf32>
            %select_n3A_641 = arith.select %le3A_636, %broadcast_in_dim3A_639, %broadcast_in_dim3A_640 : vector<16xi1>, vector<16xf32>
            %add3A_642 = arith.addf %add3A_614, %select_n3A_641 : vector<16xf32>
            scf.yield %add3A_642 : vector<16xf32>
          }
          %swap3A_167 = arith.constant 0 : index
          %swap3A_168 = tpu.vector_load %arg8[%swap3A_167] {strides = array<i32>} : memref<16xf32, #tpu.memory_space<vmem>>, vector<16xf32>,
          %swap3A_169 = vector.shape_cast %swap3A_168 : vector<16xf32> to vector<16xf32>
          %swap3A_170 = vector.shape_cast %while3A_166 : vector<16xf32> to vector<16xf32>
          tpu.vector_store %arg8[%swap3A_167], %swap3A_170 {strides = array<i32>} : memref<16xf32, #tpu.memory_space<vmem>>, vector<16xf32>,
        } else {
        }
        %scan3A_151 = arith.constant 0 : i32
        scf.yield %scan3A_151 : i32
      }
      %scan3A_87 = arith.constant 32 : i32
      %get3A_88 = arith.constant 0 : index
      %get3A_89 = tpu.vector_load %arg8[%get3A_88] {strides = array<i32>} : memref<16xf32, #tpu.memory_space<vmem>>, vector<16xf32>,
      %get3A_90 = vector.shape_cast %get3A_89 : vector<16xf32> to vector<16xf32>
      %ge3A = arith.constant 2.500000e+00 : f32
      %ge3A_91 = vector.broadcast %ge3A : f32 to vector<16xf32>
      %ge3A_92 = arith.cmpf oge, %get3A_90, %ge3A_91 : vector<16xf32>
      %jit3A_93 = arith.constant 1.000000e+00 : f32
      %jit3A_94 = arith.constant 0.000000e+00 : f32
      %broadcast_in_dim3A_95 = vector.broadcast %jit3A_93 : f32 to vector<16xf32>
      %broadcast_in_dim3A_96 = vector.broadcast %jit3A_94 : f32 to vector<16xf32>
      %select_n3A_97 = arith.select %ge3A_92, %broadcast_in_dim3A_95, %broadcast_in_dim3A_96 : vector<16xi1>, vector<16xf32>
      %mul3A_98 = arith.constant 16 : i32
      %mul3A_99 = arith.muli %scan3A_44, %mul3A_98 : i32
      %swap3A_100 = arith.index_cast %mul3A_99 : i32 to index
      %swap3A_101 = tpu.vector_load %arg7[%swap3A_100] {strides = array<i32>} : memref<512xf32, #tpu.memory_space<vmem>>, vector<16xf32>,
      %swap3A_102 = vector.shape_cast %swap3A_101 : vector<16xf32> to vector<16xf32>
      %swap3A_103 = vector.shape_cast %select_n3A_97 : vector<16xf32> to vector<16xf32>
      tpu.vector_store %arg7[%swap3A_100], %swap3A_103 {strides = array<i32>} : memref<512xf32, #tpu.memory_space<vmem>>, vector<16xf32>,
      %scan3A_104 = arith.constant 0 : i32
      scf.yield %scan3A_104 : i32
    }
    %scan3A_43 = arith.constant 32 : i32
    "tpu.region"() ({
      %run_scoped3A = tpu.sem_alloc : memref<!tpu.dma_semaphore, #tpu.memory_space<semaphore_mem>>
      %dma_start3A = arith.constant 0 : i32
      %dma_start3A_44 = tpu.memref_slice %arg3[%select_n3A, %select_n3A_30, %dma_start3A] : memref<8x4x512xf32, #tpu.memory_space<hbm>> -> memref<1x1x512xf32, #tpu.memory_space<hbm>>
      %dma_start3A_45 = tpu.memref_squeeze %dma_start3A_44 : memref<1x1x512xf32, #tpu.memory_space<hbm>> -> memref<512xf32, #tpu.memory_space<hbm>>
      %dma_start3A_46 = arith.constant 0 : i32
      %dma_start3A_47 = tpu.memref_slice %arg3[%select_n3A, %select_n3A_30, %dma_start3A_46] : memref<8x4x512xf32, #tpu.memory_space<hbm>> -> memref<1x1x512xf32, #tpu.memory_space<hbm>>
      %dma_start3A_48 = tpu.memref_squeeze %dma_start3A_47 : memref<1x1x512xf32, #tpu.memory_space<hbm>> -> memref<512xf32, #tpu.memory_space<hbm>>
      tpu.enqueue_dma source(%arg7 : memref<512xf32, #tpu.memory_space<vmem>>) target(%dma_start3A_48 : memref<512xf32, #tpu.memory_space<hbm>>) target_semaphore(%run_scoped3A : memref<!tpu.dma_semaphore, #tpu.memory_space<semaphore_mem>>)
      %dma_wait3A = arith.constant 0 : i32
      %dma_wait3A_49 = tpu.memref_slice %arg3[%select_n3A, %select_n3A_30, %dma_wait3A] : memref<8x4x512xf32, #tpu.memory_space<hbm>> -> memref<1x1x512xf32, #tpu.memory_space<hbm>>
      %dma_wait3A_50 = tpu.memref_squeeze %dma_wait3A_49 : memref<1x1x512xf32, #tpu.memory_space<hbm>> -> memref<512xf32, #tpu.memory_space<hbm>>
      %dma_wait3A_51 = arith.constant 0 : i32
      %dma_wait3A_52 = tpu.memref_slice %arg3[%select_n3A, %select_n3A_30, %dma_wait3A_51] : memref<8x4x512xf32, #tpu.memory_space<hbm>> -> memref<1x1x512xf32, #tpu.memory_space<hbm>>
      %dma_wait3A_53 = tpu.memref_squeeze %dma_wait3A_52 : memref<1x1x512xf32, #tpu.memory_space<hbm>> -> memref<512xf32, #tpu.memory_space<hbm>>
      tpu.wait_dma2 semaphore(%run_scoped3A : memref<!tpu.dma_semaphore, #tpu.memory_space<semaphore_mem>>) src(%arg7 : memref<512xf32, #tpu.memory_space<vmem>>) dst(%dma_wait3A_53 : memref<512xf32, #tpu.memory_space<hbm>>)
      tpu.yield
    }) : () -> ()
    return
  }
}

</mosaic_0001>

<sc_bundles>
// kernel: gather_offload_async_start.1
scs
__scs_entry_jumppad:
0x0: {  	(pc) =	sbr.rel $0x88, $3  }
0x1: {  	(tag) =	ssettag $0x0;
	lr =	simm.s32 $0x1  }
0x2: {  	[smem:$0x3FA0] =	sst lr;
	_ =	strace $0xD0000000  }
0x3: {  	_ = 	snop  }
0x4: {  	_ = 	snop  }
0x5: {  	_ = 	snop  }
0x6: {  	_ = 	snop  }
0x7: {  	_ = 	snop  }
__scs_overlays_trampoline_lowered:
0x8: {  	[smem:$0x3FAF] =	sst s0  }
0x9: {  	[smem:$0x3FB0] =	sst s1  }
0xa: {  	[smem:$0x3FB1] =	sst s2  }
0xb: {  	[smem:$0x3FB2] =	sst s3  }
0xc: {  	[smem:$0x3FB3] =	sst s4  }
0xd: {  	[smem:$0x3FB4] =	sst s5  }
0xe: {  	[smem:$0x3FB5] =	sst s6  }
0xf: {  	[smem:$0x3FB6] =	sst s7  }
0x10: {  	[smem:$0x3FB7] =	sst s8  }
0x11: {  	[smem:$0x3FB8] =	sst s9;
	s0 =	simm.s32 @!p0 $0x0  }
0x12: {  	s1 =	sld [smem:$0x3F9E];
	s0 =	simm.s32 @p0 $0x1  }
0x13: {  	[smem:$0x3FB9] =	sst s0;
	s0 =	simm.s32 @!p1 $0x0  }
0x14: {  	s2 =	sld [smem:$0x3F9D];
	s0 =	simm.s32 @p1 $0x1  }
0x15: {  	[smem:$0x3FBA] =	sst s0;
	s0 =	simm.s32 @!p2 $0x0  }
0x16: {  	s3 =	sld [smem:$0x3FDB];
	s0 =	simm.s32 @p2 $0x1  }
0x17: {  	s4 =	simm.s32 $0x1BF5;
	[smem:$0x3FBC] =	sst s0  }
0x18: {  	s0 =	sld [smem:$0x3F9F];
	_ =	swait.ge [sflag:s4], $0x0  }
0x19: {  	s7 =	sld [smem:$0x3FA0]  }
0x1a: {  	s8 =	sadd.s32 $0xFFFFE003, lr  }
0x1b: {  	s9 =	sadd.s32 $0xFFFFFEF7, lr;
	s5 =	simm.s32 $0xFFFFFFFF;
	p2 =	slt.u32 s8, $0xFFFFF086  }
0x1c: {  	p1 =	slt.u32 s9, $0xF7A;
	s5 =	simm.s32 @!p2 $0x0  }
0x1d: {  	s5 =	simm.s32 @p1 $0x1;
	p0 =	seq.s32 s7, s2  }
0x1e: {  	s7 =	smul.u32 @!p0 $0xF7A, s2;
	p2 =	seq.s32 @!p0 s5, $0x0  }
0x1f: {  	s9 =	smul.u32 $0xF7A, s1;
	s8 =	simm.s32 @!p0 $0x1BF5;
	p2 =	por !p2, p0  }
0x20: {  	[sflag:s8] =	ssyncset.s32 @!p0 $0xFFFFF086;
	s6 =	sadd.s32 @!p0 s3, s7;
	s7 =	simm.s32 @!p0 $0x108  }
0x21: {  	s3 =	sadd.s32 s3, s9;
	s6 =	sadd.s32 @!p0 $0x88, s6;
	s7 =	simm.s32 @p2 $0x1082  }
0x22: {  	[simem:s7], [sflag:s8] =	dma.local @!p0 [hbm:s6], $0xF7A  }
0x23: {  	s9 =	sor.u32 $0xD0000000, s2;
	s6 =	simm.s32 $0x108;
	_ =	swait.ge @!p0 [sflag:s8], $0x0  }
0x24: {  	s3 =	sadd.s32 $0x88, s3;
	s6 =	simm.s32 @!p1 $0x1082;
	[sflag:s4] =	ssyncset.s32 $0xFFFFF086  }
0x25: {  	[simem:s6], [sflag:s4] =	dma.local [hbm:s3], $0xF7A  }
0x26: {  	[smem:$0x3FA0] =	sst s1;
	(tag) =	ssettag s2;
	_ =	strace s9  }
0x27: {  	s1 =	sld [smem:$0x3FB0]  }
0x28: {  	s2 =	sld [smem:$0x3FB1]  }
0x29: {  	s4 =	sld [smem:$0x3FB3]  }
0x2a: {  	p0 =	seq.s32 s5, $0x0;
	s5 =	sld [smem:$0x3FB4]  }
0x2b: {  	s6 =	sld [smem:$0x3FB5]  }
0x2c: {  	s7 =	sld [smem:$0x3FB6]  }
0x2d: {  	s3 =	simm.s32 $0x108;
	s8 =	sld [smem:$0x3FB7]  }
0x2e: {  	s3 =	simm.s32 @!p0 $0x1082;
	s9 =	sld [smem:$0x3FB8]  }
0x2f: {  	lr =	sadd.s32 s0, s3;
	s0 =	sld [smem:$0x3FAF]  }
0x30: {  	s3 =	sld [smem:$0x3FB2]  }
0x31: {  	[smem:$0x3FBB] =	sst s10  }
0x32: {  	s10 =	sld [smem:$0x3FB9];
	_ =	sdelay $0x3  }
0x33: {  	p0 =	seq.s32 s10, $0x1;
	s10 =	sld [smem:$0x3FBB];
	_ =	sdelay $0x3  }
0x34: {  	[smem:$0x3FBB] =	sst s10  }
0x35: {  	s10 =	sld [smem:$0x3FBA];
	_ =	sdelay $0x3  }
0x36: {  	p1 =	seq.s32 s10, $0x1;
	s10 =	sld [smem:$0x3FBB];
	_ =	sdelay $0x3  }
0x37: {  	[smem:$0x3FBB] =	sst s10  }
0x38: {  	s10 =	sld [smem:$0x3FBC]  }
0x39: {  	_ = 	snop;
	(pc) =	sbr.ind lr, $3  }
0x3a: {  	_ = 	snop  }
0x3b: {  	_ = 	snop  }
0x3c: {  	p2 =	seq.s32 s10, $0x1;
	s10 =	sld [smem:$0x3FBB]  }
0x3d: {  	_ =	shalt  }
0x3e: {  	_ =	shalt  }
0x3f: {  	_ =	shalt  }
0x40: {  	_ =	shalt  }
0x41: {  	_ =	shalt  }
0x42: {  	_ =	shalt  }
0x43: {  	_ =	shalt  }
0x44: {  	_ =	shalt  }
0x45: {  	_ =	shalt  }
0x46: {  	_ =	shalt  }
0x47: {  	_ =	shalt  }
0x48: {  	_ =	shalt  }
0x49: {  	_ =	shalt  }
0x4a: {  	_ =	shalt  }
0x4b: {  	_ =	shalt  }
0x4c: {  	_ =	shalt  }
0x4d: {  	_ =	shalt  }
0x4e: {  	_ =	shalt  }
0x4f: {  	_ =	shalt  }
0x50: {  	_ =	shalt  }
0x51: {  	_ =	shalt  }
0x52: {  	_ =	shalt  }
0x53: {  	_ =	shalt  }
0x54: {  	_ =	shalt  }
0x55: {  	_ =	shalt  }
0x56: {  	_ =	shalt  }
0x57: {  	_ =	shalt  }
0x58: {  	_ =	shalt  }
0x59: {  	_ =	shalt  }
0x5a: {  	_ =	shalt  }
0x5b: {  	_ =	shalt  }
0x5c: {  	_ =	shalt  }
0x5d: {  	_ =	shalt  }
0x5e: {  	_ =	shalt  }
0x5f: {  	_ =	shalt  }
0x60: {  	_ =	shalt  }
0x61: {  	_ =	shalt  }
0x62: {  	_ =	shalt  }
0x63: {  	_ =	shalt  }
0x64: {  	_ =	shalt  }
0x65: {  	_ =	shalt  }
0x66: {  	_ =	shalt  }
0x67: {  	_ =	shalt  }
0x68: {  	_ =	shalt  }
0x69: {  	_ =	shalt  }
0x6a: {  	_ =	shalt  }
0x6b: {  	_ =	shalt  }
0x6c: {  	_ =	shalt  }
0x6d: {  	_ =	shalt  }
0x6e: {  	_ =	shalt  }
0x6f: {  	_ =	shalt  }
0x70: {  	_ =	shalt  }
0x71: {  	_ =	shalt  }
0x72: {  	_ =	shalt  }
0x73: {  	_ =	shalt  }
0x74: {  	_ =	shalt  }
0x75: {  	_ =	shalt  }
0x76: {  	_ =	shalt  }
0x77: {  	_ =	shalt  }
0x78: {  	_ =	shalt  }
0x79: {  	_ =	shalt  }
0x7a: {  	_ =	shalt  }
0x7b: {  	_ =	shalt  }
0x7c: {  	_ =	shalt  }
0x7d: {  	_ =	shalt  }
0x7e: {  	_ =	shalt  }
0x7f: {  	_ =	shalt  }
0x80: {  	_ =	shalt  }
0x81: {  	_ =	shalt  }
0x82: {  	_ =	shalt  }
0x83: {  	_ =	shalt  }
0x84: {  	_ =	shalt  }
0x85: {  	_ =	shalt  }
0x86: {  	_ =	shalt  }
0x87: {  	_ =	shalt  }
.Lfunc_end0:
.L_simem_size_0:
called_computation.1_lowered:
.L_overlay_start_0:
0x88: {  	s2 =	sld [smem:$0x3FD9]  }
0x89: {  	s3 =	sld [smem:$0x3FFE];
	_ =	sdelay $0x1  }
0x8a: {  	s1 =	srdreg.scid  }
0x8b: {  	s0 =	sand.u32 $0x1, s1  }
0x8c: {  	s17 =	sshll.u32 s0, $0xA;
	s2 =	sadd.s32 s3, s2  }
0x8d: {  	s2 =	sadd.s32 s2, s17  }
0x8e: {  	[smem:$0x3FC7] =	sst s2  }
0x8f: {  	_ = 	snop  }
0x90: {  	s2 =	sld [smem:$0x3FD0];
	(tm) =	ssettm $0x1  }
0x91: {  	s18 =	sld [smem:$0x3FFB];
	_ =	sdelay $0x3  }
0x92: {  	_ =	strace s18  }
0x93: {  	s3 =	sld [smem:$0x3FFC];
	_ =	sdelay $0x3  }
0x94: {  	_ =	strace s3  }
0x95: {  	s3 =	sld [smem:$0x3FFD];
	_ =	sdelay $0x3  }
0x96: {  	_ =	strace s3  }
0x97: {  	_ =	strace $0x8FFFFFFF  }
0x98: {  	s19 =	sld [smem:$0x3FDB];
	_ =	sdelay $0x1  }
0x99: {  	s4 =	simm.s32 $_scs_section_size  }
0x9a: {  	s5 =	simm.s32 $_size__tile_overlayer_lowered;
	s6 =	simm.s32 $_tile_overlayer_lowered  }
0x9b: {  	s22 =	simm.s32 $0x1BFF;
	s21 =	sshll.u32 s6, $0x1;
	s3 =	sadd.s32 s4, s19  }
0x9c: {  	s7 =	simm.s32 $0x0;
	s20 =	sshll.u32 s5, $0x1;
	s5 =	sadd.s32 s21, s3  }
0x9d: {  	[timem:s7], [sflag:s22] =	dma.local [hbm:s5], s20  }
0x9e: {  	_ =	swait.ge [sflag:s22], s20  }
0x9f: {  	s4 =	ssub.s32 $0x0, s20;
	[sflag:s22] =	ssyncset.done $0x0  }
0xa0: {  	[sflag:s22] =	ssyncadd.s32 s4;
	_ =	sdelay $0x1  }
0xa1: {  	s23 =	simm.s32 $0x1B8B  }
0xa2: {  	_ =	swait.ge [sflag:s23], $0x1  }
0xa3: {  	[sflag:s23] =	ssyncset.done $0x0  }
0xa4: {  	s25 =	simm.s32 $0x1B8E;
	s24 =	sld [smem:$0x3FFE];
	[sflag:s23] =	ssyncadd.s32 $0xFFFFFFFF  }
0xa5: {  	s26 =	simm.s32 $execute0_lowered;
	[smem:$0x3FD2] =	sst s25  }
0xa6: {  	s5 =	sshll.u32 s26, $0x1;
	_ =	strace $0x8000004C;
	[dreg:$0x1] =	wrdreg $0xFFFFFFFF  }
0xa7: {  	s28 =	simm.s32 $_size_execute0_lowered;
	s3 =	sadd.s32 s3, s5;
	[dreg:$0x0] =	wrdreg $0x0  }
0xa8: {  	s5 =	sshll.u32 s28, $0x1;
	[dreg:$0x2] =	wrdreg s3  }
0xa9: {  	[dreg:$0x3] =	wrdreg s5  }
0xaa: {  	[dreg:$0x4] =	wrdreg $0xC0  }
0xab: {  	_ =	task [dreg:s7], $0x5FFFF  }
0xac: {  	[dreg:$0x1] =	wrdreg $0xFFFFFFFF  }
0xad: {  	[dreg:$0x0] =	wrdreg $0x60  }
0xae: {  	[dreg:$0x2] =	wrdreg s2  }
0xaf: {  	[dreg:$0x3] =	wrdreg s24  }
0xb0: {  	[dreg:$0x4] =	wrdreg $0x9  }
0xb1: {  	_ =	task.clear_ibuf [dreg:s7], $0x5FFFF;
	_ =	strace $0x9000004C  }
0xb2: {  	s29 =	simm.s32 $0x9;
	_ =	strace $0x8000004E  }
0xb3: {  	_ =	swait.ge [sflag:s29], $0x1  }
0xb4: {  	[sflag:s29] =	ssyncadd.s32 $0xFFFFFFFF  }
0xb5: {  	_ =	strace $0x9000004E  }
0xb6: {  	_ =	sfence  }
0xb7: {  	s30 =	sld [smem:$0x0];
	_ =	sdelay $0x2  }
0xb8: {  	s31 =	sshll.u32 s1, $0xD;
	s1 =	sshrl.u32 s1, $0x2  }
0xb9: {  	s3 =	sand.u32 $0x4000, s31;
	s1 =	sadd.s32 s1, s30  }
0xba: {  	s0 =	sor.u32 s3, s0;
	s1 =	sshll.u32 s1, $0x11  }
0xbb: {  	s0 =	sor.u32 s1, s0  }
0xbc: {  	s0 =	sadd.s32 $0x8F2B, s0  }
0xbd: {  	[sflag:s0] =	ssyncadd.remote.s32 $0x1  }
0xbe: {  	_ =	sfence.sel $0xFFFF  }
0xbf: {  	[dreg:$0x0] =	wrdreg $0xFFFFFFFF;
	(pc) =	sbr.abs _section_cstart, $3  }
0xc0: {  	[dreg:$0x1] =	wrdreg $0xFFFFFFFF  }
0xc1: {  	_ =	task.clear_ibuf [dreg:s7], $0x2FFFF;
	_ =	strace $0x9FFFFFFF  }
0xc2: {  	(tm) =	ssettm $0x7FFFFFFF  }
0xc3: {  	_ =	shalt  }
tec
execute0_lowered:
.L_overlay_start_1:
0x0: {  	(tag) =	ssettag $0x1  }
0x1: {  	s1 =	srdreg.scid;
	s2 =	rddreg [dreg:$0x0]  }
0x2: {  	s0 =	stileid.u32;
	s3 =	rddreg [dreg:$0x1]  }
0x3: {  	s6 =	simm.s32 $0x1;
	s9 =	simm.s32 $0x1;
	s1 =	sshll.u32 s1, $0x8  }
0x4: {  	s10 =	simm.s32 $0x3;
	s4 =	sshll.u32 s0, $0x9;
	s5 =	sand.u32 $0x100, s1  }
0x5: {  	s13 =	simm.s32 $0x0;
	s12 =	simm.s32 $0x0;
	s4 =	sor.u32 s4, s5  }
0x6: {  	s1 =	rddreg [dreg:$0x2];
	_ =	strace $0x8000004D;
	s8 =	ssub.s32 $0x4000, s4  }
.Ltmp0:
0x7: {  	s5 =	sadd.s32 $0x2800, s3;
	s7 =	sand.u32 $0x1F00, s8;
	(pc) =	sbr.rel .LBB2_1-.Ltmp0, $4  }
0x8: {  	[sflag:s6] =	ssyncpa.u1 $0x0;
	s11 =	smov.u32 s4;
	p0 =	sne.s32 s7, $0x0  }
0x9: {  	s8 =	sshrl.u32 s8, $0xD;
	s7 =	simm.s32 $0x2;
	s9 =	simm.s32 @!p0 $0x0  }
0xa: {  	[sflag:s7] =	ssyncpa.u1 $0x0;
	p0 =	por $0x0, $0x0;
	s8 =	sadd.s32 s9, s8  }
0xb: {  	vm0 =	vmmov $0xffff;
	[sflag:s10] =	ssyncpa.u1 $0x0;
	s10 =	simm.s32 $0x0;
	s9 =	sadd.s32 $0x1, s8  }
.LBB2_4:
0xc: {  	v5 =	vld.msk [tilespmem:s18+$0x0 ss:$0x1], $0xffff  }
0xd: {  	v6 =	vand.u32 $0x7, v1;
	v7 =	vshrl.u32 v1, $0x3  }
0xe: {  	v3 =	vor.u32 v4, v3;
	vm1 =	veq.s32 v1, $0x80000000;
	v53 =	vand.u32 $0x7FF, v7  }
0xf: {  	v2 =	vor.u32 v2, v3;
	v54 =	vsel vm1, $0xFFFFFFFF, v6;
	v1 =	vsel vm1, $0xFFFFFFFF, v53  }
0x10: {  	v6 =	vshll.u32 v54, $0x7;
	v3 =	vand.u32 $0xFFFFC000, v54;
	v55 =	vand.u32 $0x7F, v1  }
0x11: {  	v1 =	vshll.u32 v1, $0x3;
	v6 =	vand.u32 $0x380, v6;
	v56 =	vshrl.u32 v5, $0x3  }
0x12: {  	v1 =	vand.u32 $0xFFFFFC00, v1;
	vm1 =	veq.s32 v5, $0x80000000;
	v57 =	vand.u32 $0x7FF, v56  }
0x13: {  	v1 =	vadd.s32 v3, v1;
	v5 =	vand.u32 $0x7, v5;
	v3 =	vsel vm1, $0xFFFFFFFF, v57  }
0x14: {  	v1 =	vor.u32 v6, v1;
	v5 =	vsel vm1, $0xFFFFFFFF, v5;
	v58 =	vshll.u32 v3, $0x3  }
0x15: {  	v59 =	vshll.u32 v5, $0x7;
	v5 =	vand.u32 $0xFFFFC000, v5;
	v6 =	vand.u32 $0xFFFFFC00, v58  }
0x16: {  	v1 =	vor.u32 v55, v1;
	v61 =	vand.u32 $0x380, v59;
	v60 =	vadd.s32 v5, v6  }
0x17: {  	[tilespmem:s16], [sflag:$0x1] =	stream.indirect_vreg.gather [hbm4b:s2+s10], $0x1, v0, vm0, $0x4038;
	v62 =	vand.u32 $0x7F, v3;
	v63 =	vor.u32 v61, v60;
	[tilespmem:$0x400] =	vst v63  }
0x18: {  	(ifvalue) =	ssetifvalue $0x7FFFFFFF;
	v0 =	vor.u32 v62, v63  }
0x19: {  	[tilespmem:s15], [sflag:$0x1] =	stream.indirect_vreg.gather [hbm4b:s2+s10], $0x1, v2, vm0, $0x4038;
	[tilespmem:$0x400] =	vst v63  }
0x1a: {  	s29 =	sadd.s32 $0x10, s15;
	(ifvalue) =	ssetifvalue $0x7FFFFFFF  }
0x1b: {  	[tilespmem:s29], [sflag:$0x1] =	stream.indirect_vreg.gather [hbm4b:s2+s10], $0x1, v1, vm0, $0x4038;
	[tilespmem:$0x400] =	vst v63  }
0x1c: {  	s15 =	sadd.s32 $0x10, s29;
	(ifvalue) =	ssetifvalue $0x7FFFFFFF  }
0x1d: {  	[tilespmem:s15], [sflag:$0x1] =	stream.indirect_vreg.gather [hbm4b:s2+s10], $0x1, v0, vm0, $0x4038;
	[tilespmem:$0x400] =	vst v63  }
0x1e: {  	_ =	swait.ge [sflag:s6], $0x100  }
0x1f: {  	s30 =	sshrl.u32 s13, $0x3;
	[sflag:s6] =	ssyncset.done $0x0  }
0x20: {  	s31 =	sand.u32 $0x7, s13;
	s15 =	sadd.s32 s3, s30;
	[sflag:s6] =	ssyncadd.s32 $0xFFFFFF00  }
0x21: {  	[hbm4b:s15+s31] =	stream.linear.scatter [tilespmem:s14], [sflag:$0x3], $0x100, $0x38;
	[tilespmem:$0x400] =	vst v63  }
.LBB2_5:
0x22: {  	s15 =	sadd.s32 $0x2000, s11  }
0x23: {  	p2 =	sgt.s32 s15, $0x3FFF  }
0x24: {  	s15 =	smov.u32 @p2 s4;
	p2 =	sne.s32 s12, s9  }
.Ltmp1:
0x25: {  	p1 =	slt.u32 s12, $0x2;
	(pc) =	sbr.rel @!p2 .LBB2_6-.Ltmp1, $4  }
0x26: {  	s14 =	simm.s32 @!p1 $0x3  }
0x27: {  	s16 =	sadd.s32 $0x1, s12;
	_ =	swait.ge @!p1 [sflag:s14], $0x100  }
0x28: {  	s13 =	smov.u32 s11;
	p0 =	por !p0, !p0;
	[sflag:s14] =	ssyncset.done @!p1 $0x0  }
0x29: {  	s12 =	smov.u32 s16;
	s11 =	smov.u32 s15;
	[sflag:s14] =	ssyncadd.s32 @!p1 $0xFFFFFF00  }
.LBB2_1:
0x2a: {  	p1 =	sge.u32 s12, s8  }
0x2b: {  	s14 =	sxor.u32 @!p1 $0xFFFFFFFF, s12  }
0x2c: {  	s31 =	sadd.s32 $0xFFFFFFFF, s12;
	s15 =	sshrl.u32 @!p1 s11, $0x3;
	s14 =	sshll.u32 @!p1 s14, $0x8  }
0x2d: {  	s16 =	sand.u32 @!p1 $0x7, s11;
	s15 =	sadd.s32 @!p1 s5, s15;
	s14 =	sand.u32 @!p1 $0x100, s14  }
0x2e: {  	[tilespmem:s14], [sflag:$0x2] =	stream.linear.gather @!p1 [hbm4b:s15+s16], $0x100, $0x38;
	[tilespmem:$0x400] =	vst v63  }
0x2f: {  	p1 =	sge.u32 s31, s8  }
.Ltmp2:
0x30: {  	_ = 	snop;
	(pc) =	sbr.rel @p1 .LBB2_5-.Ltmp2, $1  }
0x31: {  	_ =	sdelay $0x3  }
0x32: {  	s14 =	simm.s32 $0x1  }
0x33: {  	_ =	swait.ge [sflag:s7], $0x100;
	s14 =	simm.s32 @!p0 $0x0  }
0x34: {  	[sflag:s7] =	ssyncset.done $0x0;
	s14 =	sshll.u32 s14, $0x8  }
0x35: {  	[sflag:s7] =	ssyncadd.s32 $0xFFFFFF00;
	(ifvalue) =	ssetifvalue $0x7FFFFFFF;
	v0 =	vld.msk [tilespmem:s14+$0x0 ss:$0x1], $0xffff;
	_ =	sdelay $0x4  }
0x36: {  	s15 =	sadd.s32 $0x10, s14;
	v2 =	vshrl.u32 v0, $0x3  }
0x37: {  	v1 =	vld.msk [tilespmem:s15+$0x0 ss:$0x1], $0xffff;
	vm1 =	veq.s32 v0, $0x80000000;
	v2 =	vand.u32 $0x7FF, v2  }
0x38: {  	v0 =	vand.u32 $0x7, v0;
	v2 =	vsel vm1, $0xFFFFFFFF, v2  }
0x39: {  	v0 =	vsel vm1, $0xFFFFFFFF, v0;
	v3 =	vshll.u32 v2, $0x3  }
0x3a: {  	v4 =	vand.u32 $0xFFFFC000, v0;
	v0 =	vshll.u32 v0, $0x7;
	v3 =	vand.u32 $0xFFFFFC00, v3  }
0x3b: {  	v0 =	vand.u32 $0x380, v0;
	v3 =	vadd.s32 v4, v3  }
0x3c: {  	v2 =	vand.u32 $0x7F, v2;
	v4 =	vshrl.u32 v1, $0x3;
	v0 =	vor.u32 v0, v3  }
0x3d: {  	vm1 =	veq.s32 v1, $0x80000000;
	v4 =	vand.u32 $0x7FF, v4;
	v0 =	vor.u32 v2, v0  }
0x3e: {  	s16 =	sshll.u32 s12, $0x8;
	s15 =	sadd.s32 $0x10, s15;
	v1 =	vand.u32 $0x7, v1;
	v3 =	vsel vm1, $0xFFFFFFFF, v4  }
0x3f: {  	s17 =	sand.u32 $0x100, s16;
	v2 =	vsel vm1, $0xFFFFFFFF, v1;
	v1 =	vld.msk [tilespmem:s15+$0x0 ss:$0x1], $0xffff;
	v4 =	vshll.u32 v3, $0x3  }
0x40: {  	s16 =	sor.u32 $0x200, s14;
	s14 =	sor.u32 $0x200, s17;
	s17 =	simm.s32 $0x30;
	v5 =	vshll.u32 v2, $0x7;
	v6 =	vand.u32 $0xFFFFC000, v2;
	v4 =	vand.u32 $0xFFFFFC00, v4  }
0x41: {  	s18 =	sadd.s32 $0x10, s15;
	(ifvalue) =	ssetifvalue $0x7FFFFFFF;
	s15 =	sadd.s32 $0x10, s16;
	v2 =	vand.u32 $0x7F, v3;
	v3 =	vadd.s32 v6, v4;
	v4 =	vand.u32 $0x380, v5  }
.LBB2_3:
0x42: {  	[tilespmem:s16], [sflag:$0x1] =	stream.indirect_vreg.gather [hbm4b:s2+s10], $0x1, v0, vm0, $0x4038;
	[tilespmem:$0x400] =	vst v63  }
0x43: {  	s17 =	sadd.s32 $0x10, s17  }
0x44: {  	v5 =	vand.u32 $0x7, v1;
	v6 =	vshrl.u32 v1, $0x3;
	v3 =	vor.u32 v4, v3;
	v0 =	vmovc v1;
	v1 =	vld.msk [tilespmem:s18+$0x0 ss:$0x1], $0xffff;
	p1 =	slt.u32 s17, $0xF0  }
.Ltmp3:
0x45: {  	s16 =	smov.u32 s15;
	vm1 =	veq.s32 v0, $0x80000000;
	v4 =	vand.u32 $0x7FF, v6;
	v0 =	vor.u32 v2, v3;
	(pc) =	sbr.rel @p1 .LBB2_3-.Ltmp3, $4  }
0x46: {  	v3 =	vsel vm1, $0xFFFFFFFF, v5;
	v4 =	vsel vm1, $0xFFFFFFFF, v4  }
0x47: {  	v2 =	vand.u32 $0x7F, v4;
	v4 =	vshll.u32 v4, $0x3;
	v5 =	vshll.u32 v3, $0x7  }
0x48: {  	v3 =	vand.u32 $0xFFFFC000, v3;
	v4 =	vand.u32 $0xFFFFFC00, v4  }
0x49: {  	s18 =	sadd.s32 $0x10, s18;
	s15 =	sadd.s32 $0x10, s15;
	v3 =	vadd.s32 v3, v4;
	v4 =	vand.u32 $0x380, v5;
	(ifvalue) =	ssetifvalue $0x7FFFFFFF  }
.Ltmp4:
0x4a: {  	_ = 	snop;
	(pc) =	sbr.rel .LBB2_4-.Ltmp4, $1  }
0x4b: {  	_ =	sdelay $0x3  }
.LBB2_6:
0x4c: {  	_ =	sfence.sel $0x180000  }
0x4d: {  	s2 =	simm.s32 $0x2;
	[bflag:$0x0] =	sbarrier.arrive $0xFFFF  }
0x4e: {  	s30 =	simm.s32 $0x3;
	[sflag:s2] =	ssyncpa.u1 $0x1  }
0x4f: {  	s31 =	simm.s32 $0x1;
	[sflag:s30] =	ssyncpa.u1 $0x1  }
0x50: {  	[sflag:s31] =	ssyncpa.u1 $0x1  }
0x51: {  	p0 =	sne.s32 s0, $0x0;
	_ =	strace $0x9000004D  }
0x52: {  	s0 =	sadd.s32 @!p0 $0x100000, s1;
	[bflag:$0x2] =	sbarrier.arrive $0xFFFF  }
0x53: {  	[sflag:s0] =	ssyncadd.tile.s32 @!p0 $0x1;
	_ =	shalt  }
.Lfunc_end2:
_tile_overlayer_lowered:
.L_overlay_start_2:
0x54: {  	(tag) =	ssettag $0x2  }
0x55: {  	s0 =	rddreg [dreg:$0x0];
	s2 =	stileid.u32  }
0x56: {  	s1 =	rddreg [dreg:$0x1];
	p0 =	sne.s32 s2, $0x0  }
0x57: {  	s3 =	rddreg [dreg:$0x2];
	[bflag:$0x3] =	sbarrier.arrive $0xFFFF;
	s2 =	simm.s32 @!p0 $0x1C01  }
0x58: {  	[timem:s3], [sflag:s2] =	dma.local @!p0 [hbm:s0], s1  }
0x59: {  	s0 =	simm.s32 @!p0 $0x1  }
0x5a: {  	_ =	swait.ge @!p0 [sflag:s0], s1  }
0x5b: {  	s1 =	ssub.s32 @!p0 $0x0, s1;
	[sflag:s0] =	ssyncset.done @!p0 $0x0  }
0x5c: {  	[sflag:s0] =	ssyncadd.s32 @!p0 s1  }
0x5d: {  	[bflag:$0x3] =	sbarrier.arrive $0xFFFF  }
0x5e: {  	_ =	shalt  }

// kernel: gather_offload_async_start
scs
__scs_entry_jumppad:
0x0: {  	(pc) =	sbr.rel $0x88, $3  }
0x1: {  	(tag) =	ssettag $0x0;
	lr =	simm.s32 $0x1  }
0x2: {  	[smem:$0x3FA0] =	sst lr;
	_ =	strace $0xD0000000  }
0x3: {  	_ = 	snop  }
0x4: {  	_ = 	snop  }
0x5: {  	_ = 	snop  }
0x6: {  	_ = 	snop  }
0x7: {  	_ = 	snop  }
__scs_overlays_trampoline_lowered:
0x8: {  	[smem:$0x3FAF] =	sst s0  }
0x9: {  	[smem:$0x3FB0] =	sst s1  }
0xa: {  	[smem:$0x3FB1] =	sst s2  }
0xb: {  	[smem:$0x3FB2] =	sst s3  }
0xc: {  	[smem:$0x3FB3] =	sst s4  }
0xd: {  	[smem:$0x3FB4] =	sst s5  }
0xe: {  	[smem:$0x3FB5] =	sst s6  }
0xf: {  	[smem:$0x3FB6] =	sst s7  }
0x10: {  	[smem:$0x3FB7] =	sst s8  }
0x11: {  	[smem:$0x3FB8] =	sst s9;
	s0 =	simm.s32 @!p0 $0x0  }
0x12: {  	s1 =	sld [smem:$0x3F9E];
	s0 =	simm.s32 @p0 $0x1  }
0x13: {  	[smem:$0x3FB9] =	sst s0;
	s0 =	simm.s32 @!p1 $0x0  }
0x14: {  	s2 =	sld [smem:$0x3F9D];
	s0 =	simm.s32 @p1 $0x1  }
0x15: {  	[smem:$0x3FBA] =	sst s0;
	s0 =	simm.s32 @!p2 $0x0  }
0x16: {  	s3 =	sld [smem:$0x3FDB];
	s0 =	simm.s32 @p2 $0x1  }
0x17: {  	s4 =	simm.s32 $0x1BF5;
	[smem:$0x3FBC] =	sst s0  }
0x18: {  	s0 =	sld [smem:$0x3F9F];
	_ =	swait.ge [sflag:s4], $0x0  }
0x19: {  	s7 =	sld [smem:$0x3FA0]  }
0x1a: {  	s8 =	sadd.s32 $0xFFFFE003, lr  }
0x1b: {  	s9 =	sadd.s32 $0xFFFFFEF7, lr;
	s5 =	simm.s32 $0xFFFFFFFF;
	p2 =	slt.u32 s8, $0xFFFFF086  }
0x1c: {  	p1 =	slt.u32 s9, $0xF7A;
	s5 =	simm.s32 @!p2 $0x0  }
0x1d: {  	s5 =	simm.s32 @p1 $0x1;
	p0 =	seq.s32 s7, s2  }
0x1e: {  	s7 =	smul.u32 @!p0 $0xF7A, s2;
	p2 =	seq.s32 @!p0 s5, $0x0  }
0x1f: {  	s9 =	smul.u32 $0xF7A, s1;
	s8 =	simm.s32 @!p0 $0x1BF5;
	p2 =	por !p2, p0  }
0x20: {  	[sflag:s8] =	ssyncset.s32 @!p0 $0xFFFFF086;
	s6 =	sadd.s32 @!p0 s3, s7;
	s7 =	simm.s32 @!p0 $0x108  }
0x21: {  	s3 =	sadd.s32 s3, s9;
	s6 =	sadd.s32 @!p0 $0x88, s6;
	s7 =	simm.s32 @p2 $0x1082  }
0x22: {  	[simem:s7], [sflag:s8] =	dma.local @!p0 [hbm:s6], $0xF7A  }
0x23: {  	s9 =	sor.u32 $0xD0000000, s2;
	s6 =	simm.s32 $0x108;
	_ =	swait.ge @!p0 [sflag:s8], $0x0  }
0x24: {  	s3 =	sadd.s32 $0x88, s3;
	s6 =	simm.s32 @!p1 $0x1082;
	[sflag:s4] =	ssyncset.s32 $0xFFFFF086  }
0x25: {  	[simem:s6], [sflag:s4] =	dma.local [hbm:s3], $0xF7A  }
0x26: {  	[smem:$0x3FA0] =	sst s1;
	(tag) =	ssettag s2;
	_ =	strace s9  }
0x27: {  	s1 =	sld [smem:$0x3FB0]  }
0x28: {  	s2 =	sld [smem:$0x3FB1]  }
0x29: {  	s4 =	sld [smem:$0x3FB3]  }
0x2a: {  	p0 =	seq.s32 s5, $0x0;
	s5 =	sld [smem:$0x3FB4]  }
0x2b: {  	s6 =	sld [smem:$0x3FB5]  }
0x2c: {  	s7 =	sld [smem:$0x3FB6]  }
0x2d: {  	s3 =	simm.s32 $0x108;
	s8 =	sld [smem:$0x3FB7]  }
0x2e: {  	s3 =	simm.s32 @!p0 $0x1082;
	s9 =	sld [smem:$0x3FB8]  }
0x2f: {  	lr =	sadd.s32 s0, s3;
	s0 =	sld [smem:$0x3FAF]  }
0x30: {  	s3 =	sld [smem:$0x3FB2]  }
0x31: {  	[smem:$0x3FBB] =	sst s10  }
0x32: {  	s10 =	sld [smem:$0x3FB9];
	_ =	sdelay $0x3  }
0x33: {  	p0 =	seq.s32 s10, $0x1;
	s10 =	sld [smem:$0x3FBB];
	_ =	sdelay $0x3  }
0x34: {  	[smem:$0x3FBB] =	sst s10  }
0x35: {  	s10 =	sld [smem:$0x3FBA];
	_ =	sdelay $0x3  }
0x36: {  	p1 =	seq.s32 s10, $0x1;
	s10 =	sld [smem:$0x3FBB];
	_ =	sdelay $0x3  }
0x37: {  	[smem:$0x3FBB] =	sst s10  }
0x38: {  	s10 =	sld [smem:$0x3FBC]  }
0x39: {  	_ = 	snop;
	(pc) =	sbr.ind lr, $3  }
0x3a: {  	_ = 	snop  }
0x3b: {  	_ = 	snop  }
0x3c: {  	p2 =	seq.s32 s10, $0x1;
	s10 =	sld [smem:$0x3FBB]  }
0x3d: {  	_ =	shalt  }
0x3e: {  	_ =	shalt  }
0x3f: {  	_ =	shalt  }
0x40: {  	_ =	shalt  }
0x41: {  	_ =	shalt  }
0x42: {  	_ =	shalt  }
0x43: {  	_ =	shalt  }
0x44: {  	_ =	shalt  }
0x45: {  	_ =	shalt  }
0x46: {  	_ =	shalt  }
0x47: {  	_ =	shalt  }
0x48: {  	_ =	shalt  }
0x49: {  	_ =	shalt  }
0x4a: {  	_ =	shalt  }
0x4b: {  	_ =	shalt  }
0x4c: {  	_ =	shalt  }
0x4d: {  	_ =	shalt  }
0x4e: {  	_ =	shalt  }
0x4f: {  	_ =	shalt  }
0x50: {  	_ =	shalt  }
0x51: {  	_ =	shalt  }
0x52: {  	_ =	shalt  }
0x53: {  	_ =	shalt  }
0x54: {  	_ =	shalt  }
0x55: {  	_ =	shalt  }
0x56: {  	_ =	shalt  }
0x57: {  	_ =	shalt  }
0x58: {  	_ =	shalt  }
0x59: {  	_ =	shalt  }
0x5a: {  	_ =	shalt  }
0x5b: {  	_ =	shalt  }
0x5c: {  	_ =	shalt  }
0x5d: {  	_ =	shalt  }
0x5e: {  	_ =	shalt  }
0x5f: {  	_ =	shalt  }
0x60: {  	_ =	shalt  }
0x61: {  	_ =	shalt  }
0x62: {  	_ =	shalt  }
0x63: {  	_ =	shalt  }
0x64: {  	_ =	shalt  }
0x65: {  	_ =	shalt  }
0x66: {  	_ =	shalt  }
0x67: {  	_ =	shalt  }
0x68: {  	_ =	shalt  }
0x69: {  	_ =	shalt  }
0x6a: {  	_ =	shalt  }
0x6b: {  	_ =	shalt  }
0x6c: {  	_ =	shalt  }
0x6d: {  	_ =	shalt  }
0x6e: {  	_ =	shalt  }
0x6f: {  	_ =	shalt  }
0x70: {  	_ =	shalt  }
0x71: {  	_ =	shalt  }
0x72: {  	_ =	shalt  }
0x73: {  	_ =	shalt  }
0x74: {  	_ =	shalt  }
0x75: {  	_ =	shalt  }
0x76: {  	_ =	shalt  }
0x77: {  	_ =	shalt  }
0x78: {  	_ =	shalt  }
0x79: {  	_ =	shalt  }
0x7a: {  	_ =	shalt  }
0x7b: {  	_ =	shalt  }
0x7c: {  	_ =	shalt  }
0x7d: {  	_ =	shalt  }
0x7e: {  	_ =	shalt  }
0x7f: {  	_ =	shalt  }
0x80: {  	_ =	shalt  }
0x81: {  	_ =	shalt  }
0x82: {  	_ =	shalt  }
0x83: {  	_ =	shalt  }
0x84: {  	_ =	shalt  }
0x85: {  	_ =	shalt  }
0x86: {  	_ =	shalt  }
0x87: {  	_ =	shalt  }
.Lfunc_end0:
.L_simem_size_0:
called_computation_lowered:
.L_overlay_start_0:
0x88: {  	s2 =	sld [smem:$0x3FD9]  }
0x89: {  	s3 =	sld [smem:$0x3FFE];
	_ =	sdelay $0x1  }
0x8a: {  	s1 =	srdreg.scid  }
0x8b: {  	s0 =	sand.u32 $0x1, s1  }
0x8c: {  	s17 =	sshll.u32 s0, $0xA;
	s2 =	sadd.s32 s3, s2  }
0x8d: {  	s2 =	sadd.s32 s2, s17  }
0x8e: {  	[smem:$0x3FC7] =	sst s2  }
0x8f: {  	_ = 	snop  }
0x90: {  	s2 =	sld [smem:$0x3FD0];
	(tm) =	ssettm $0x1  }
0x91: {  	s18 =	sld [smem:$0x3FFB];
	_ =	sdelay $0x3  }
0x92: {  	_ =	strace s18  }
0x93: {  	s3 =	sld [smem:$0x3FFC];
	_ =	sdelay $0x3  }
0x94: {  	_ =	strace s3  }
0x95: {  	s3 =	sld [smem:$0x3FFD];
	_ =	sdelay $0x3  }
0x96: {  	_ =	strace s3  }
0x97: {  	_ =	strace $0x8FFFFFFF  }
0x98: {  	s19 =	sld [smem:$0x3FDB];
	_ =	sdelay $0x1  }
0x99: {  	s4 =	simm.s32 $_scs_section_size  }
0x9a: {  	s5 =	simm.s32 $_size__tile_overlayer_lowered;
	s6 =	simm.s32 $_tile_overlayer_lowered  }
0x9b: {  	s22 =	simm.s32 $0x1BFF;
	s21 =	sshll.u32 s6, $0x1;
	s3 =	sadd.s32 s4, s19  }
0x9c: {  	s7 =	simm.s32 $0x0;
	s20 =	sshll.u32 s5, $0x1;
	s5 =	sadd.s32 s21, s3  }
0x9d: {  	[timem:s7], [sflag:s22] =	dma.local [hbm:s5], s20  }
0x9e: {  	_ =	swait.ge [sflag:s22], s20  }
0x9f: {  	s4 =	ssub.s32 $0x0, s20;
	[sflag:s22] =	ssyncset.done $0x0  }
0xa0: {  	[sflag:s22] =	ssyncadd.s32 s4;
	_ =	sdelay $0x1  }
0xa1: {  	s23 =	simm.s32 $0x1B8B  }
0xa2: {  	_ =	swait.ge [sflag:s23], $0x1  }
0xa3: {  	[sflag:s23] =	ssyncset.done $0x0  }
0xa4: {  	s25 =	simm.s32 $0x1B8E;
	s24 =	sld [smem:$0x3FFE];
	[sflag:s23] =	ssyncadd.s32 $0xFFFFFFFF  }
0xa5: {  	s26 =	simm.s32 $execute0_lowered;
	[smem:$0x3FD2] =	sst s25  }
0xa6: {  	s5 =	sshll.u32 s26, $0x1;
	_ =	strace $0x80000046;
	[dreg:$0x1] =	wrdreg $0xFFFFFFFF  }
0xa7: {  	s28 =	simm.s32 $_size_execute0_lowered;
	s3 =	sadd.s32 s3, s5;
	[dreg:$0x0] =	wrdreg $0x0  }
0xa8: {  	s5 =	sshll.u32 s28, $0x1;
	[dreg:$0x2] =	wrdreg s3  }
0xa9: {  	[dreg:$0x3] =	wrdreg s5  }
0xaa: {  	[dreg:$0x4] =	wrdreg $0xC0  }
0xab: {  	_ =	task [dreg:s7], $0x5FFFF  }
0xac: {  	[dreg:$0x1] =	wrdreg $0xFFFFFFFF  }
0xad: {  	[dreg:$0x0] =	wrdreg $0x60  }
0xae: {  	[dreg:$0x2] =	wrdreg s24  }
0xaf: {  	[dreg:$0x3] =	wrdreg s2  }
0xb0: {  	[dreg:$0x4] =	wrdreg $0x9  }
0xb1: {  	_ =	task.clear_ibuf [dreg:s7], $0x5FFFF;
	_ =	strace $0x90000046  }
0xb2: {  	s29 =	simm.s32 $0x9;
	_ =	strace $0x80000048  }
0xb3: {  	_ =	swait.ge [sflag:s29], $0x1  }
0xb4: {  	[sflag:s29] =	ssyncadd.s32 $0xFFFFFFFF  }
0xb5: {  	_ =	strace $0x90000048  }
0xb6: {  	_ =	sfence  }
0xb7: {  	s30 =	sld [smem:$0x0];
	_ =	sdelay $0x2  }
0xb8: {  	s31 =	sshll.u32 s1, $0xD;
	s1 =	sshrl.u32 s1, $0x2  }
0xb9: {  	s3 =	sand.u32 $0x4000, s31;
	s1 =	sadd.s32 s1, s30  }
0xba: {  	s0 =	sor.u32 s3, s0;
	s1 =	sshll.u32 s1, $0x11  }
0xbb: {  	s0 =	sor.u32 s1, s0  }
0xbc: {  	s0 =	sadd.s32 $0x8F2B, s0  }
0xbd: {  	[sflag:s0] =	ssyncadd.remote.s32 $0x1  }
0xbe: {  	_ =	sfence.sel $0xFFFF  }
0xbf: {  	[dreg:$0x0] =	wrdreg $0xFFFFFFFF;
	(pc) =	sbr.abs _section_cstart, $3  }
0xc0: {  	[dreg:$0x1] =	wrdreg $0xFFFFFFFF  }
0xc1: {  	_ =	task.clear_ibuf [dreg:s7], $0x2FFFF;
	_ =	strace $0x9FFFFFFF  }
0xc2: {  	(tm) =	ssettm $0x7FFFFFFF  }
0xc3: {  	_ =	shalt  }
tec
execute0_lowered:
.L_overlay_start_1:
0x0: {  	(tag) =	ssettag $0x1  }
0x1: {  	s2 =	rddreg [dreg:$0x0]  }
0x2: {  	s3 =	rddreg [dreg:$0x1]  }
0x3: {  	s0 =	rddreg [dreg:$0x2];
	s1 =	srdreg.scid;
	_ =	strace $0x80000047  }
0x4: {  	s4 =	simm.s32 $0x1;
	s9 =	simm.s32 $0x3;
	s5 =	sshll.u32 s1, $0x4  }
.Ltmp0:
0x5: {  	s1 =	stileid.u32;
	s5 =	sand.u32 $0x10, s5;
	(pc) =	sbr.rel .LBB2_1-.Ltmp0, $4  }
0x6: {  	s11 =	simm.s32 $0x0;
	p0 =	por $0x0, $0x0;
	s6 =	sor.u32 s1, s5  }
0x7: {  	[sflag:s4] =	ssyncpa.u1 $0x0;
	s5 =	simm.s32 $0x2;
	s6 =	sshll.u32 s6, $0x9  }
0x8: {  	s7 =	sadd.s32 $0x40000, s2;
	[sflag:s5] =	ssyncpa.u1 $0x0;
	s8 =	sadd.s32 $0x200, s6  }
0x9: {  	vm0 =	vmmov $0xff;
	vm1 =	vcmask $0x3F20;
	[sflag:s9] =	ssyncpa.u1 $0x0;
	s10 =	smov.u32 s6;
	s9 =	simm.s32 $0x0  }
.LBB2_7:
0xa: {  	p1 =	slt.u32 s9, $0x2;
	s11 =	sadd.s32 $0x100, s10  }
0xb: {  	s13 =	smov.u32 s6;
	s9 =	sadd.s32 $0x1, s9;
	p2 =	slt.s32 s11, s8  }
0xc: {  	s13 =	smov.u32 @p2 s11;
	p2 =	sne.s32 s9, $0x4  }
.Ltmp1:
0xd: {  	_ = 	snop;
	(pc) =	sbr.rel @!p2 .LBB2_8-.Ltmp1, $4  }
0xe: {  	s12 =	simm.s32 @!p1 $0x3  }
0xf: {  	_ =	swait.ge @!p1 [sflag:s12], $0x8000  }
0x10: {  	p0 =	por !p0, !p0;
	[sflag:s12] =	ssyncset.done @!p1 $0x0  }
0x11: {  	s11 =	smov.u32 s10;
	s10 =	smov.u32 s13;
	[sflag:s12] =	ssyncadd.s32 @!p1 $0xFFFF8000  }
.LBB2_1:
0x12: {  	p1 =	sgt.u32 s9, $0x1  }
0x13: {  	s12 =	sshll.u32 @!p1 s9, $0x8;
	s13 =	sshrl.u32 @!p1 s10, $0x3  }
0x14: {  	s14 =	sand.u32 @!p1 $0x7, s10;
	s12 =	sxor.u32 @!p1 $0x100, s12;
	s13 =	sadd.s32 @!p1 s3, s13  }
0x15: {  	[tilespmem:s12], [sflag:$0x2] =	stream.linear.gather @!p1 [hbm4b:s13+s14], $0x100, $0x38;
	[tilespmem:$0x10200] =	vst v63  }
0x16: {  	p1 =	seq.s32 s9, $0x0  }
0x17: {  	p2 =	seq.s32 @!p1 s9, $0x3  }
0x18: {  	p1 =	por p1, p2  }
.Ltmp2:
0x19: {  	_ = 	snop;
	(pc) =	sbr.rel @p1 .LBB2_7-.Ltmp2, $1  }
0x1a: {  	_ =	sdelay $0x3  }
0x1b: {  	s12 =	simm.s32 $0x1  }
0x1c: {  	_ =	swait.ge [sflag:s5], $0x100;
	s12 =	simm.s32 @!p0 $0x0  }
0x1d: {  	[sflag:s5] =	ssyncset.done $0x0;
	s14 =	sshll.u32 s12, $0x8  }
0x1e: {  	[sflag:s5] =	ssyncadd.s32 $0xFFFFFF00;
	s13 =	sadd.s32 $0x0, s14  }
0x1f: {  	v0 =	vld.msk [tilespmem:s13+$0x0 ss:$0x1], $0xffff;
	_ =	sdelay $0x4  }
0x20: {  	v1 =	vshll.u32 v0, $0x4  }
0x21: {  	vm2 =	veq.s32 v0, $0x80000000;
	v0 =	vshll.u32 v0, $0x12;
	v1 =	vand.u32 $0x3FF80, v1  }
0x22: {  	v0 =	vand.u32 $0x1C0000, v0;
	v1 =	vsel vm2, $0xFFFFFF80, v1  }
0x23: {  	v0 =	vsel vm2, $0xFFFC0000, v0;
	v2 =	vand.u32 $0xFFFFFC00, v1  }
0x24: {  	v1 =	vand.u32 $0x380, v1;
	v0 =	vadd.s32 v0, v2  }
0x25: {  	v0 =	vor.u32 v1, v0  }
0x26: {  	v0 =	vshrl.u32 v0, $0x3;
	_ =	sdelay $0x2  }
0x27: {  	s12 =	sshll.u32 s12, $0xF  }
0x28: {  	s12 =	sor.u32 $0x200, s12  }
0x29: {  	[tilespmem:s12], [sflag:$0x1] =	stream.indirect_vreg.gather [hbm:s2], $0x80, v0, vm0, $0x38;
	[tilespmem:$0x10200] =	vst v63  }
0x2a: {  	s15 =	sadd.s32 $0x10, s14;
	s13 =	sadd.s32 $0x400, s12  }
0x2b: {  	[tilespmem:s13], [sflag:$0x1] =	stream.indirect_vreg.gather [hbm:s2], $0x80, v0, vm1, $0x38;
	[tilespmem:$0x10200] =	vst v63  }
0x2c: {  	s16 =	simm.s32 $0x80;
	v0 =	vld.msk [tilespmem:s15+$0x0 ss:$0x1], $0xffff;
	s15 =	smov.u32 s12  }
.LBB2_3:
0x2d: {  	p1 =	sne.s32 s16, $0x3C0;
	_ =	sdelay $0x4  }
0x2e: {  	v1 =	vshll.u32 v0, $0x4  }
0x2f: {  	vm2 =	veq.s32 v0, $0x80000000;
	v0 =	vshll.u32 v0, $0x12;
	v1 =	vand.u32 $0x3FF80, v1  }
0x30: {  	v0 =	vand.u32 $0x1C0000, v0;
	v1 =	vsel vm2, $0xFFFFFF80, v1  }
0x31: {  	v0 =	vsel vm2, $0xFFFC0000, v0;
	v2 =	vand.u32 $0xFFFFFC00, v1  }
0x32: {  	v1 =	vand.u32 $0x380, v1;
	v0 =	vadd.s32 v0, v2  }
0x33: {  	v0 =	vor.u32 v1, v0  }
0x34: {  	v0 =	vshrl.u32 v0, $0x3;
	_ =	sdelay $0x3  }
.Ltmp3:
0x35: {  	s17 =	sshra.s32 s16, $0x2;
	s15 =	sadd.s32 $0x800, s15;
	(pc) =	sbr.rel @p1 .LBB2_3-.Ltmp3, $4  }
0x36: {  	[tilespmem:s15], [sflag:$0x1] =	stream.indirect_vreg.gather [hbm:s2], $0x80, v0, vm0, $0x38;
	[tilespmem:$0x10200] =	vst v63  }
0x37: {  	s17 =	sadd.s32 s17, s14;
	s18 =	sadd.s32 $0x400, s15  }
0x38: {  	[tilespmem:s18], [sflag:$0x1] =	stream.indirect_vreg.gather [hbm:s2], $0x80, v0, vm1, $0x38;
	[tilespmem:$0x10200] =	vst v63  }
0x39: {  	s16 =	sadd.s32 $0x40, s16;
	v0 =	vld.msk [tilespmem:s17+$0x0 ss:$0x1], $0xffff  }
0x3a: {  	_ =	sdelay $0x3  }
0x3b: {  	v1 =	vshll.u32 v0, $0x4  }
0x3c: {  	vm2 =	veq.s32 v0, $0x80000000;
	v63 =	vshll.u32 v0, $0x12;
	v1 =	vand.u32 $0x3FF80, v1  }
0x3d: {  	v0 =	vand.u32 $0x1C0000, v63;
	v1 =	vsel vm2, $0xFFFFFF80, v1  }
0x3e: {  	v0 =	vsel vm2, $0xFFFC0000, v0;
	v2 =	vand.u32 $0xFFFFFC00, v1  }
0x3f: {  	v1 =	vand.u32 $0x380, v1;
	v0 =	vadd.s32 v0, v2  }
0x40: {  	v0 =	vor.u32 v1, v0  }
0x41: {  	v0 =	vshrl.u32 v0, $0x3;
	_ =	sdelay $0x3  }
0x42: {  	s14 =	sadd.s32 $0x800, s15  }
0x43: {  	[tilespmem:s14], [sflag:$0x1] =	stream.indirect_vreg.gather [hbm:s2], $0x80, v0, vm0, $0x38;
	[tilespmem:$0x10200] =	vst v63  }
0x44: {  	s14 =	sadd.s32 $0x400, s14  }
0x45: {  	[tilespmem:s14], [sflag:$0x1] =	stream.indirect_vreg.gather [hbm:s2], $0x80, v0, vm1, $0x38;
	[tilespmem:$0x10200] =	vst v63  }
0x46: {  	s11 =	sshll.u32 s11, $0x4;
	_ =	swait.ge [sflag:s4], $0x8000  }
0x47: {  	s11 =	sadd.s32 s11, s7;
	[sflag:s4] =	ssyncset.done $0x0  }
0x48: {  	s15 =	sadd.s32 $0x0, s11;
	s14 =	simm.s32 $0x80;
	[sflag:s4] =	ssyncadd.s32 $0xFFFF8000  }
.LBB2_5:
0x49: {  	[hbm:s15] =	stream.linear.scatter [tilespmem:s12], [sflag:$0x3], $0x400, $0x38;
	[tilespmem:$0x10200] =	vst v63  }
0x4a: {  	s15 =	smov.u32 s14;
	s12 =	smov.u32 s13;
	p1 =	sne.s32 s14, $0xF80  }
.Ltmp4:
0x4b: {  	s14 =	sadd.s32 $0x80, s14;
	(pc) =	sbr.rel @p1 .LBB2_5-.Ltmp4, $2  }
0x4c: {  	_ =	sdelay $0x2  }
0x4d: {  	s13 =	sadd.s32 $0x400, s13;
	s15 =	sadd.s32 s15, s11  }
.Ltmp5:
0x4e: {  	(pc) =	sbr.rel .LBB2_7-.Ltmp5, $2  }
0x4f: {  	_ =	sdelay $0x2  }
0x50: {  	[hbm:s15] =	stream.linear.scatter [tilespmem:s12], [sflag:$0x3], $0x400, $0x38;
	[tilespmem:$0x10200] =	vst v63  }
.LBB2_8:
0x51: {  	_ =	sfence.sel $0x180000  }
0x52: {  	s2 =	simm.s32 $0x2;
	[bflag:$0x0] =	sbarrier.arrive $0xFFFF  }
0x53: {  	s30 =	simm.s32 $0x3;
	[sflag:s2] =	ssyncpa.u1 $0x1  }
0x54: {  	s31 =	simm.s32 $0x1;
	[sflag:s30] =	ssyncpa.u1 $0x1  }
0x55: {  	[sflag:s31] =	ssyncpa.u1 $0x1  }
0x56: {  	p0 =	sne.s32 s1, $0x0;
	_ =	strace $0x90000047  }
0x57: {  	s0 =	sadd.s32 @!p0 $0x100000, s0;
	[bflag:$0x2] =	sbarrier.arrive $0xFFFF  }
0x58: {  	[sflag:s0] =	ssyncadd.tile.s32 @!p0 $0x1;
	_ =	shalt  }
.Lfunc_end2:
_tile_overlayer_lowered:
.L_overlay_start_2:
0x59: {  	(tag) =	ssettag $0x2  }
0x5a: {  	s0 =	rddreg [dreg:$0x0];
	s2 =	stileid.u32  }
0x5b: {  	s1 =	rddreg [dreg:$0x1];
	p0 =	sne.s32 s2, $0x0  }
0x5c: {  	s3 =	rddreg [dreg:$0x2];
	[bflag:$0x3] =	sbarrier.arrive $0xFFFF;
	s2 =	simm.s32 @!p0 $0x1C01  }
0x5d: {  	[timem:s3], [sflag:s2] =	dma.local @!p0 [hbm:s0], s1  }
0x5e: {  	s0 =	simm.s32 @!p0 $0x1  }
0x5f: {  	_ =	swait.ge @!p0 [sflag:s0], s1  }
0x60: {  	s1 =	ssub.s32 @!p0 $0x0, s1;
	[sflag:s0] =	ssyncset.done @!p0 $0x0  }
0x61: {  	[sflag:s0] =	ssyncadd.s32 @!p0 s1  }
0x62: {  	[bflag:$0x3] =	sbarrier.arrive $0xFFFF  }
0x63: {  	_ =	shalt  }

// kernel: kernel.3.cloned.1.call-start
scs
__scs_entry_jumppad:
0x0: {  	(pc) =	sbr.rel $0x88, $3  }
0x1: {  	(tag) =	ssettag $0x0;
	lr =	simm.s32 $0x1  }
0x2: {  	[smem:$0x3FA0] =	sst lr;
	_ =	strace $0xD0000000  }
0x3: {  	_ = 	snop  }
0x4: {  	_ = 	snop  }
0x5: {  	_ = 	snop  }
0x6: {  	_ = 	snop  }
0x7: {  	_ = 	snop  }
__scs_overlays_trampoline_lowered:
0x8: {  	[smem:$0x3FAF] =	sst s0  }
0x9: {  	[smem:$0x3FB0] =	sst s1  }
0xa: {  	[smem:$0x3FB1] =	sst s2  }
0xb: {  	[smem:$0x3FB2] =	sst s3  }
0xc: {  	[smem:$0x3FB3] =	sst s4  }
0xd: {  	[smem:$0x3FB4] =	sst s5  }
0xe: {  	[smem:$0x3FB5] =	sst s6  }
0xf: {  	[smem:$0x3FB6] =	sst s7  }
0x10: {  	[smem:$0x3FB7] =	sst s8  }
0x11: {  	[smem:$0x3FB8] =	sst s9;
	s0 =	simm.s32 @!p0 $0x0  }
0x12: {  	s1 =	sld [smem:$0x3F9E];
	s0 =	simm.s32 @p0 $0x1  }
0x13: {  	[smem:$0x3FB9] =	sst s0;
	s0 =	simm.s32 @!p1 $0x0  }
0x14: {  	s2 =	sld [smem:$0x3F9D];
	s0 =	simm.s32 @p1 $0x1  }
0x15: {  	[smem:$0x3FBA] =	sst s0;
	s0 =	simm.s32 @!p2 $0x0  }
0x16: {  	s3 =	sld [smem:$0x3FDB];
	s0 =	simm.s32 @p2 $0x1  }
0x17: {  	s4 =	simm.s32 $0x1BF5;
	[smem:$0x3FBC] =	sst s0  }
0x18: {  	s0 =	sld [smem:$0x3F9F];
	_ =	swait.ge [sflag:s4], $0x0  }
0x19: {  	s7 =	sld [smem:$0x3FA0]  }
0x1a: {  	s8 =	sadd.s32 $0xFFFFE003, lr  }
0x1b: {  	s9 =	sadd.s32 $0xFFFFFEF7, lr;
	s5 =	simm.s32 $0xFFFFFFFF;
	p2 =	slt.u32 s8, $0xFFFFF086  }
0x1c: {  	p1 =	slt.u32 s9, $0xF7A;
	s5 =	simm.s32 @!p2 $0x0  }
0x1d: {  	s5 =	simm.s32 @p1 $0x1;
	p0 =	seq.s32 s7, s2  }
0x1e: {  	s7 =	smul.u32 @!p0 $0xF7A, s2;
	p2 =	seq.s32 @!p0 s5, $0x0  }
0x1f: {  	s9 =	smul.u32 $0xF7A, s1;
	s8 =	simm.s32 @!p0 $0x1BF5;
	p2 =	por !p2, p0  }
0x20: {  	[sflag:s8] =	ssyncset.s32 @!p0 $0xFFFFF086;
	s6 =	sadd.s32 @!p0 s3, s7;
	s7 =	simm.s32 @!p0 $0x108  }
0x21: {  	s3 =	sadd.s32 s3, s9;
	s6 =	sadd.s32 @!p0 $0x88, s6;
	s7 =	simm.s32 @p2 $0x1082  }
0x22: {  	[simem:s7], [sflag:s8] =	dma.local @!p0 [hbm:s6], $0xF7A  }
0x23: {  	s9 =	sor.u32 $0xD0000000, s2;
	s6 =	simm.s32 $0x108;
	_ =	swait.ge @!p0 [sflag:s8], $0x0  }
0x24: {  	s3 =	sadd.s32 $0x88, s3;
	s6 =	simm.s32 @!p1 $0x1082;
	[sflag:s4] =	ssyncset.s32 $0xFFFFF086  }
0x25: {  	[simem:s6], [sflag:s4] =	dma.local [hbm:s3], $0xF7A  }
0x26: {  	[smem:$0x3FA0] =	sst s1;
	(tag) =	ssettag s2;
	_ =	strace s9  }
0x27: {  	s1 =	sld [smem:$0x3FB0]  }
0x28: {  	s2 =	sld [smem:$0x3FB1]  }
0x29: {  	s4 =	sld [smem:$0x3FB3]  }
0x2a: {  	p0 =	seq.s32 s5, $0x0;
	s5 =	sld [smem:$0x3FB4]  }
0x2b: {  	s6 =	sld [smem:$0x3FB5]  }
0x2c: {  	s7 =	sld [smem:$0x3FB6]  }
0x2d: {  	s3 =	simm.s32 $0x108;
	s8 =	sld [smem:$0x3FB7]  }
0x2e: {  	s3 =	simm.s32 @!p0 $0x1082;
	s9 =	sld [smem:$0x3FB8]  }
0x2f: {  	lr =	sadd.s32 s0, s3;
	s0 =	sld [smem:$0x3FAF]  }
0x30: {  	s3 =	sld [smem:$0x3FB2]  }
0x31: {  	[smem:$0x3FBB] =	sst s10  }
0x32: {  	s10 =	sld [smem:$0x3FB9];
	_ =	sdelay $0x3  }
0x33: {  	p0 =	seq.s32 s10, $0x1;
	s10 =	sld [smem:$0x3FBB];
	_ =	sdelay $0x3  }
0x34: {  	[smem:$0x3FBB] =	sst s10  }
0x35: {  	s10 =	sld [smem:$0x3FBA];
	_ =	sdelay $0x3  }
0x36: {  	p1 =	seq.s32 s10, $0x1;
	s10 =	sld [smem:$0x3FBB];
	_ =	sdelay $0x3  }
0x37: {  	[smem:$0x3FBB] =	sst s10  }
0x38: {  	s10 =	sld [smem:$0x3FBC]  }
0x39: {  	_ = 	snop;
	(pc) =	sbr.ind lr, $3  }
0x3a: {  	_ = 	snop  }
0x3b: {  	_ = 	snop  }
0x3c: {  	p2 =	seq.s32 s10, $0x1;
	s10 =	sld [smem:$0x3FBB]  }
0x3d: {  	_ =	shalt  }
0x3e: {  	_ =	shalt  }
0x3f: {  	_ =	shalt  }
0x40: {  	_ =	shalt  }
0x41: {  	_ =	shalt  }
0x42: {  	_ =	shalt  }
0x43: {  	_ =	shalt  }
0x44: {  	_ =	shalt  }
0x45: {  	_ =	shalt  }
0x46: {  	_ =	shalt  }
0x47: {  	_ =	shalt  }
0x48: {  	_ =	shalt  }
0x49: {  	_ =	shalt  }
0x4a: {  	_ =	shalt  }
0x4b: {  	_ =	shalt  }
0x4c: {  	_ =	shalt  }
0x4d: {  	_ =	shalt  }
0x4e: {  	_ =	shalt  }
0x4f: {  	_ =	shalt  }
0x50: {  	_ =	shalt  }
0x51: {  	_ =	shalt  }
0x52: {  	_ =	shalt  }
0x53: {  	_ =	shalt  }
0x54: {  	_ =	shalt  }
0x55: {  	_ =	shalt  }
0x56: {  	_ =	shalt  }
0x57: {  	_ =	shalt  }
0x58: {  	_ =	shalt  }
0x59: {  	_ =	shalt  }
0x5a: {  	_ =	shalt  }
0x5b: {  	_ =	shalt  }
0x5c: {  	_ =	shalt  }
0x5d: {  	_ =	shalt  }
0x5e: {  	_ =	shalt  }
0x5f: {  	_ =	shalt  }
0x60: {  	_ =	shalt  }
0x61: {  	_ =	shalt  }
0x62: {  	_ =	shalt  }
0x63: {  	_ =	shalt  }
0x64: {  	_ =	shalt  }
0x65: {  	_ =	shalt  }
0x66: {  	_ =	shalt  }
0x67: {  	_ =	shalt  }
0x68: {  	_ =	shalt  }
0x69: {  	_ =	shalt  }
0x6a: {  	_ =	shalt  }
0x6b: {  	_ =	shalt  }
0x6c: {  	_ =	shalt  }
0x6d: {  	_ =	shalt  }
0x6e: {  	_ =	shalt  }
0x6f: {  	_ =	shalt  }
0x70: {  	_ =	shalt  }
0x71: {  	_ =	shalt  }
0x72: {  	_ =	shalt  }
0x73: {  	_ =	shalt  }
0x74: {  	_ =	shalt  }
0x75: {  	_ =	shalt  }
0x76: {  	_ =	shalt  }
0x77: {  	_ =	shalt  }
0x78: {  	_ =	shalt  }
0x79: {  	_ =	shalt  }
0x7a: {  	_ =	shalt  }
0x7b: {  	_ =	shalt  }
0x7c: {  	_ =	shalt  }
0x7d: {  	_ =	shalt  }
0x7e: {  	_ =	shalt  }
0x7f: {  	_ =	shalt  }
0x80: {  	_ =	shalt  }
0x81: {  	_ =	shalt  }
0x82: {  	_ =	shalt  }
0x83: {  	_ =	shalt  }
0x84: {  	_ =	shalt  }
0x85: {  	_ =	shalt  }
0x86: {  	_ =	shalt  }
0x87: {  	_ =	shalt  }
.Lfunc_end0:
.L_simem_size_0:
called_computation.2_lowered:
.L_overlay_start_0:
0x88: {  	s2 =	sld [smem:$0x3FD9]  }
0x89: {  	s3 =	sld [smem:$0x3FFE];
	_ =	sdelay $0x1  }
0x8a: {  	s1 =	srdreg.scid  }
0x8b: {  	s0 =	sand.u32 $0x1, s1  }
0x8c: {  	s16 =	sshll.u32 s0, $0xA;
	s2 =	sadd.s32 s3, s2  }
0x8d: {  	s2 =	sadd.s32 s2, s16  }
0x8e: {  	[smem:$0x3FC7] =	sst s2  }
0x8f: {  	_ = 	snop  }
0x90: {  	(tm) =	ssettm $0x1  }
0x91: {  	s17 =	sld [smem:$0x3FFB];
	_ =	sdelay $0x3  }
0x92: {  	_ =	strace s17  }
0x93: {  	s2 =	sld [smem:$0x3FFC];
	_ =	sdelay $0x3  }
0x94: {  	_ =	strace s2  }
0x95: {  	s2 =	sld [smem:$0x3FFD];
	_ =	sdelay $0x3  }
0x96: {  	_ =	strace s2  }
0x97: {  	_ =	strace $0x8FFFFFFF  }
0x98: {  	s18 =	sld [smem:$0x3FDB];
	_ =	sdelay $0x1  }
0x99: {  	s19 =	simm.s32 $_scs_section_size  }
0x9a: {  	s4 =	simm.s32 $_size__tile_overlayer_lowered;
	s5 =	simm.s32 $_tile_overlayer_lowered  }
0x9b: {  	s22 =	simm.s32 $0x1BFF;
	s21 =	sshll.u32 s5, $0x1;
	s2 =	sadd.s32 s19, s18  }
0x9c: {  	s6 =	simm.s32 $0x0;
	s20 =	sshll.u32 s4, $0x1;
	s4 =	sadd.s32 s21, s2  }
0x9d: {  	[timem:s6], [sflag:s22] =	dma.local [hbm:s4], s20  }
0x9e: {  	_ =	swait.ge [sflag:s22], s20  }
0x9f: {  	s3 =	ssub.s32 $0x0, s20;
	[sflag:s22] =	ssyncset.done $0x0  }
0xa0: {  	[sflag:s22] =	ssyncadd.s32 s3;
	_ =	sdelay $0x1  }
0xa1: {  	s23 =	simm.s32 $0x1B8B  }
0xa2: {  	_ =	swait.ge [sflag:s23], $0x1  }
0xa3: {  	[sflag:s23] =	ssyncset.done $0x0  }
0xa4: {  	s25 =	simm.s32 $0x1B8E;
	s24 =	sld [smem:$0x3FFE];
	[sflag:s23] =	ssyncadd.s32 $0xFFFFFFFF  }
0xa5: {  	s26 =	simm.s32 $execute0_lowered;
	[smem:$0x3FD2] =	sst s25  }
0xa6: {  	s4 =	sshll.u32 s26, $0x1;
	_ =	strace $0x80000049;
	[dreg:$0x1] =	wrdreg $0xFFFFFFFF  }
0xa7: {  	s28 =	simm.s32 $_size_execute0_lowered;
	s2 =	sadd.s32 s2, s4;
	[dreg:$0x0] =	wrdreg $0x0  }
0xa8: {  	s4 =	sshll.u32 s28, $0x1;
	[dreg:$0x2] =	wrdreg s2  }
0xa9: {  	[dreg:$0x3] =	wrdreg s4  }
0xaa: {  	[dreg:$0x4] =	wrdreg $0xC0  }
0xab: {  	_ =	task [dreg:s6], $0x5FFFF  }
0xac: {  	[dreg:$0x1] =	wrdreg $0xFFFFFFFF  }
0xad: {  	[dreg:$0x0] =	wrdreg $0x60  }
0xae: {  	[dreg:$0x2] =	wrdreg s24  }
0xaf: {  	[dreg:$0x3] =	wrdreg $0x9  }
0xb0: {  	_ =	task.clear_ibuf [dreg:s6], $0x4FFFF;
	_ =	strace $0x90000049  }
0xb1: {  	s29 =	simm.s32 $0x9;
	_ =	strace $0x8000004B  }
0xb2: {  	_ =	swait.ge [sflag:s29], $0x1  }
0xb3: {  	[sflag:s29] =	ssyncadd.s32 $0xFFFFFFFF  }
0xb4: {  	_ =	strace $0x9000004B  }
0xb5: {  	_ =	sfence  }
0xb6: {  	s30 =	sld [smem:$0x0];
	_ =	sdelay $0x2  }
0xb7: {  	s31 =	sshll.u32 s1, $0xD;
	s1 =	sshrl.u32 s1, $0x2  }
0xb8: {  	s3 =	sand.u32 $0x4000, s31;
	s1 =	sadd.s32 s1, s30  }
0xb9: {  	s0 =	sor.u32 s3, s0;
	s1 =	sshll.u32 s1, $0x11  }
0xba: {  	s0 =	sor.u32 s1, s0  }
0xbb: {  	s0 =	sadd.s32 $0x8F2B, s0  }
0xbc: {  	[sflag:s0] =	ssyncadd.remote.s32 $0x1  }
0xbd: {  	_ =	sfence.sel $0xFFFF  }
0xbe: {  	[dreg:$0x0] =	wrdreg $0xFFFFFFFF;
	(pc) =	sbr.abs _section_cstart, $3  }
0xbf: {  	[dreg:$0x1] =	wrdreg $0xFFFFFFFF  }
0xc0: {  	_ =	task.clear_ibuf [dreg:s6], $0x2FFFF;
	_ =	strace $0x9FFFFFFF  }
0xc1: {  	(tm) =	ssettm $0x7FFFFFFF  }
tec
execute0_lowered:
.L_overlay_start_1:
0x0: {  	(tag) =	ssettag $0x1  }
0x1: {  	s4 =	rddreg [dreg:$0x0]  }
0x2: {  	s0 =	rddreg [dreg:$0x1];
	s1 =	simm.s32 $0x0  }
0x3: {  	v0 =	vimm.s32 $0xFEDCBA98;
	v1 =	vimm.s32 $0x76543210;
	s2 =	stileid.u32;
	s5 =	srdreg.scid;
	s11 =	simm.s32 $0x200  }
0x4: {  	v2 =	vimm.s32 $0x3210FEDC;
	v3 =	vimm.s32 $0xBA987654;
	s12 =	simm.s32 $0x4800;
	s13 =	simm.s32 $0x0;
	[smem:$0x7FF] =	sst s1  }
0x5: {  	v4 =	vimm.s32 $0x10FEDCBA;
	v5 =	vimm.s32 $0x98765432;
	v6 =	vimm.s32 $0xFEDCBA9;
	s3 =	sshrl.u32 s2, $0x1;
	s6 =	sshll.u32 s2, $0x1;
	s8 =	sand.u32 $0x1, s5  }
0x6: {  	v7 =	vimm.s32 $0x87654321;
	v0 =	vunpack.c.l.s4.s8 v0;
	v1 =	vunpack.c.l.s4.s8 v1;
	s29 =	sand.u32 $0x1, s2;
	_ =	strace $0x8000004A;
	s7 =	sshll.u32 s3, $0x8  }
0x7: {  	v2 =	vunpack.c.l.s4.s8 v2;
	v3 =	vunpack.c.l.s4.s8 v3;
	v4 =	vunpack.c.l.s4.s8 v4;
	s25 =	sand.u32 $0x2, s6;
	s28 =	ssub.s32 $0x2, s8;
	s10 =	sshll.u32 s3, $0xA  }
0x8: {  	v5 =	vunpack.c.l.s4.s8 v5;
	v6 =	vunpack.c.l.s4.s8 v6;
	v7 =	vunpack.c.l.s4.s8 v7;
	s30 =	sshll.u32 s29, $0x7;
	s31 =	sshll.u32 s8, $0x6;
	s26 =	sadd.s32 s7, s4  }
.Ltmp0:
0x9: {  	v0 =	vunpack.c.0.s8.s32 v0;
	v1 =	vunpack.c.0.s8.s32 v1;
	s5 =	sor.u32 s8, s25;
	s9 =	sshrl.u32 s28, $0x1;
	v2 =	vunpack.c.0.s8.s32 v2;
	(pc) =	sbr.rel .LBB2_1-.Ltmp0, $4  }
0xa: {  	s4 =	sadd.s32 s4, s10;
	v3 =	vunpack.c.0.s8.s32 v3;
	v4 =	vunpack.c.0.s8.s32 v4;
	s8 =	sshll.u32 s8, $0x4;
	v5 =	vunpack.c.0.s8.s32 v5;
	s10 =	simm.s32 $0x80  }
0xb: {  	v6 =	vunpack.c.0.s8.s32 v6;
	v7 =	vunpack.c.0.s8.s32 v7;
	s3 =	sshll.u32 s5, $0x4;
	s7 =	ssub.s32 s28, s9;
	s9 =	sshll.u32 s29, $0x5;
	v0 =	vand.u32 $0xF, v0  }
0xc: {  	s5 =	sadd.s32 s3, s26;
	s6 =	smax.u32 s7, $0x1;
	s7 =	sor.u32 s31, s30;
	v0 =	vcombine.low v0, v1;
	v1 =	vcombine.low v3, v2  }
0xd: {  	s8 =	sor.u32 s8, s9;
	s9 =	simm.s32 $0x1;
	s5 =	sadd.s32 $0x2000, s5;
	v2 =	vcombine.low v5, v4;
	v3 =	vcombine.low v7, v6;
	v4 =	vimm.f32 $0.0e+00  }
.LBB2_11:
0xe: {  	s13 =	sadd.s32 $0x1, s13  }
0xf: {  	p0 =	sne.s32 s13, s6  }
.Ltmp1:
0x10: {  	_ = 	snop;
	(pc) =	sbr.rel @!p0 .LBB2_12-.Ltmp1, $4  }
0x11: {  	[hbm4b:s5+s10] =	stream.strided.scatter [tilespmem:s12], [sflag:$0x1], $0x200, s11, s10, $0x38;
	[tilespmem:$0x4A80] =	vst v63  }
0x12: {  	_ =	swait.ge [sflag:s9], $0x200  }
0x13: {  	[sflag:s9] =	ssyncset.done $0x0  }
0x14: {  	[sflag:s9] =	ssyncadd.s32 $0xFFFFFE00  }
.LBB2_1:
0x15: {  	[tilespmem:s1], [sflag:$0x1] =	stream.linear.gather [hbm4b:s4+s1], $0x2000, $0x38;
	[tilespmem:$0x4A80] =	vst v63  }
0x16: {  	_ =	swait.ge [sflag:s9], $0x2000  }
0x17: {  	s14 =	sand.u32 $0x70, s1;
	s15 =	sand.u32 $0x1E00, s1;
	[sflag:s9] =	ssyncset.done $0x0  }
0x18: {  	s14 =	sor.u32 s14, s15;
	[sflag:s9] =	ssyncadd.s32 $0xFFFFE000  }
0x19: {  	v5 =	vld [tilespmem:s14+$0x0]  }
0x1a: {  	v6 =	vld [tilespmem:s14+$0x80]  }
0x1b: {  	v7 =	vld [tilespmem:s14+$0x100];
	_ =	sdelay $0x3  }
0x1c: {  	v8 =	vmul.f32 v5, v5;
	v9 =	vshrl.u32 v5, $0x10;
	v10 =	vmul.f32 v6, v6  }
0x1d: {  	v11 =	vshrl.u32 v6, $0x10;
	v12 =	vshrl.u32 v7, $0x10;
	v13 =	vmul.f32 v7, v7  }
0x1e: {  	v9 =	vand.u32 $0x1, v9;
	v11 =	vand.u32 $0x1, v11;
	v12 =	vand.u32 $0x1, v12  }
0x1f: {  	v8 =	vadd.f32 v10, v8;
	v6 =	vadd.s32 v11, v6;
	v7 =	vadd.s32 v12, v7  }
0x20: {  	s18 =	simm.s32 $0x10;
	s16 =	simm.s32 $0x20;
	s15 =	simm.s32 $0x40;
	v9 =	vadd.s32 v9, v5;
	v5 =	vadd.s32 $0x7FFF, v6;
	v10 =	vadd.s32 $0x7FFF, v7  }
0x21: {  	s17 =	simm.s32 $0x0;
	s18 =	sand.u32 $0x70, s18;
	s19 =	sand.u32 $0x1E00, s15;
	v6 =	vadd.s32 $0x7FFF, v9;
	v7 =	vadd.f32 v13, v8;
	v8 =	vand.u32 $0xFFFF0000, v10  }
.LBB2_2:
0x22: {  	p0 =	sne.s32 s16, $0x7F0  }
0x23: {  	s18 =	sor.u32 s18, s19;
	[tilespmem:s17+$0x4000] =	vst v7;
	s19 =	smov.u32 s16;
	s16 =	sadd.s32 $0x10, s16  }
0x24: {  	v6 =	vand.u32 $0xFFFF0000, v6;
	v5 =	vand.u32 $0xFFFF0000, v5;
	v7 =	vld [tilespmem:s18+$0x0];
	[tilespmem:s14+$0x2100] =	vst v8  }
0x25: {  	v8 =	vld [tilespmem:s18+$0x80];
	[tilespmem:s14+$0x2000] =	vst v6  }
0x26: {  	v6 =	vld [tilespmem:s18+$0x100];
	[tilespmem:s14+$0x2080] =	vst v5;
	s14 =	smov.u32 s18;
	_ =	sdelay $0x2  }
0x27: {  	v5 =	vmul.f32 v7, v7;
	v9 =	vshrl.u32 v7, $0x10  }
0x28: {  	v10 =	vmul.f32 v8, v8;
	v9 =	vand.u32 $0x1, v9;
	v11 =	vshrl.u32 v8, $0x10  }
.Ltmp2:
0x29: {  	v12 =	vmul.f32 v6, v6;
	v11 =	vand.u32 $0x1, v11;
	v13 =	vshrl.u32 v6, $0x10;
	(pc) =	sbr.rel @p0 .LBB2_2-.Ltmp2, $4  }
0x2a: {  	v10 =	vadd.f32 v10, v5;
	v5 =	vadd.s32 v11, v8;
	v8 =	vand.u32 $0x1, v13  }
0x2b: {  	v9 =	vadd.s32 v9, v7;
	v5 =	vadd.s32 $0x7FFF, v5;
	v8 =	vadd.s32 v8, v6  }
0x2c: {  	s17 =	sshra.s32 s15, $0x2;
	s15 =	sadd.s32 $0x40, s15;
	v6 =	vadd.s32 $0x7FFF, v9;
	v7 =	vadd.f32 v12, v10;
	v8 =	vadd.s32 $0x7FFF, v8  }
0x2d: {  	s18 =	sand.u32 $0x70, s19;
	s19 =	sand.u32 $0x1E00, s15;
	v8 =	vand.u32 $0xFFFF0000, v8  }
0x2e: {  	s16 =	sor.u32 s18, s19;
	[tilespmem:s17+$0x4000] =	vst v7  }
0x2f: {  	v7 =	vld [tilespmem:s16+$0x0];
	[tilespmem:s14+$0x2100] =	vst v8  }
0x30: {  	v6 =	vand.u32 $0xFFFF0000, v6;
	v8 =	vld [tilespmem:s16+$0x80]  }
0x31: {  	[tilespmem:s14+$0x2000] =	vst v6  }
0x32: {  	v6 =	vld [tilespmem:s16+$0x100];
	_ =	sdelay $0x2  }
0x33: {  	v9 =	vmul.f32 v7, v7;
	v10 =	vmul.f32 v8, v8  }
0x34: {  	v11 =	vshrl.u32 v7, $0x10  }
0x35: {  	v12 =	vmul.f32 v6, v6;
	v13 =	vshrl.u32 v6, $0x10;
	v9 =	vadd.f32 v10, v9  }
0x36: {  	v5 =	vand.u32 $0xFFFF0000, v5;
	v61 =	vand.u32 $0x1, v11;
	v62 =	vand.u32 $0x1, v13  }
0x37: {  	v63 =	vshrl.u32 v8, $0x10;
	v6 =	vadd.s32 v62, v6;
	v9 =	vadd.f32 v12, v9  }
.Ltmp3:
0x38: {  	s31 =	sshra.s32 s15, $0x2;
	[tilespmem:s14+$0x2080] =	vst v5;
	v5 =	vand.u32 $0x1, v63;
	v7 =	vadd.s32 v61, v7;
	v6 =	vadd.s32 $0x7FFF, v6;
	(pc) =	sbr.rel .LBB2_4-.Ltmp3, $4  }
0x39: {  	v5 =	vadd.s32 v5, v8;
	v7 =	vadd.s32 $0x7FFF, v7;
	v6 =	vand.u32 $0xFFFF0000, v6;
	[tilespmem:s31+$0x4000] =	vst v9  }
0x3a: {  	v5 =	vadd.s32 $0x7FFF, v5;
	v7 =	vand.u32 $0xFFFF0000, v7;
	[tilespmem:s16+$0x2100] =	vst v6  }
0x3b: {  	v5 =	vand.u32 $0xFFFF0000, v5;
	[tilespmem:s16+$0x2000] =	vst v7  }
0x3c: {  	s15 =	smov.u32 s8;
	s14 =	simm.s32 $0x0;
	[tilespmem:s16+$0x2080] =	vst v5;
	s16 =	smov.u32 s7  }
.LBB2_10:
0x3d: {  	s17 =	sshll.u32 s14, $0x4;
	s14 =	sadd.s32 $0x1, s14  }
0x3e: {  	p0 =	sne.s32 s14, $0x20  }
.Ltmp4:
0x3f: {  	_ = 	snop;
	(pc) =	sbr.rel @!p0 .LBB2_11-.Ltmp4, $4  }
0x40: {  	_ = 	snop  }
0x41: {  	vm0 =	vge.f32 v14, $2.500000000e+00  }
0x42: {  	v5 =	vsel vm0, $0x3F800000, v4;
	s17 =	sand.u32 $0x3FFFFFF0, s17  }
0x43: {  	s16 =	sadd.s32 $0x100, s16;
	s15 =	sadd.s32 $0x40, s15;
	[tilespmem:s17+$0x4800] =	vst v5  }
.LBB2_4:
0x44: {  	s17 =	sshll.u32 s14, $0x6  }
0x45: {  	s18 =	sshll.u32 s14, $0x8;
	s17 =	sor.u32 s3, s17  }
0x46: {  	s18 =	sand.u32 $0x1E00, s18;
	s19 =	sand.u32 $0x70, s17  }
0x47: {  	s18 =	sor.u32 s19, s18  }
0x48: {  	v5 =	vld [tilespmem:s18+$0x2000]  }
0x49: {  	v7 =	vld [tilespmem:s18+$0x2080]  }
0x4a: {  	v8 =	vld [tilespmem:s18+$0x2100]  }
.Ltmp5:
0x4b: {  	_ = 	snop;
	(pc) =	sbr.rel .LBB2_5-.Ltmp5, $3  }
0x4c: {  	_ =	sdelay $0x1  }
0x4d: {  	v14 =	vimm.f32 $0.0e+00;
	v5 =	vmul.f32 $-2.000000000e+00, v5  }
0x4e: {  	v6 =	vld [tilespmem:s17+$0x4000];
	s17 =	smov.u32 s15;
	s19 =	simm.s32 $0x0;
	[tilespmem:$0x4A00] =	vst v14;
	s18 =	smov.u32 s16;
	v7 =	vmul.f32 $-2.000000000e+00, v7;
	v8 =	vmul.f32 $-2.000000000e+00, v8  }
.LBB2_8:
0x4f: {  	v20 =	vadd.f32 v20, v22;
	_ =	sdelay $0x1  }
0x50: {  	v19 =	vadd.f32 v20, v19  }
0x51: {  	v60 =	vsel vm2, $0x3F800000, v4  }
0x52: {  	v19 =	vadd.f32 v19, v60  }
0x53: {  	vm0 =	vle.f32 v21, $1.210000040e+00;
	v61 =	vbroadcast v10, $0xE;
	v12 =	vbroadcast v12, $0xF  }
0x54: {  	v11 =	vbroadcast v11, $0xF;
	v13 =	vadd.f32 v13, v17;
	v14 =	vadd.f32 v19, v14  }
0x55: {  	v62 =	vmul.f32 v18, v8;
	v9 =	vbroadcast v9, $0xF;
	v21 =	vsel vm0, $0x3F800000, v4  }
0x56: {  	v12 =	vmul.f32 v12, v5;
	v11 =	vmul.f32 v11, v7;
	v14 =	vadd.f32 v14, v21  }
0x57: {  	v10 =	vbroadcast v10, $0xF;
	v13 =	vadd.f32 v62, v13;
	v63 =	vadd.f32 v61, v6  }
0x58: {  	v9 =	vmul.f32 v9, v8;
	v11 =	vadd.f32 v11, v12;
	v12 =	vadd.f32 v14, v15  }
0x59: {  	v10 =	vadd.f32 v10, v6;
	v13 =	vadd.f32 v13, v63;
	v14 =	vsel vm1, $0x3F800000, v4  }
0x5a: {  	vm13 =	vle.f32 v16, $1.210000040e+00;
	v9 =	vadd.f32 v9, v11;
	v11 =	vadd.f32 v12, v14  }
0x5b: {  	v12 =	vsel vm13, $0x3F800000, v4  }
0x5c: {  	vm14 =	vle.f32 v13, $1.210000040e+00;
	v9 =	vadd.f32 v9, v10;
	v10 =	vadd.f32 v11, v12  }
0x5d: {  	v11 =	vsel vm14, $0x3F800000, v4  }
0x5e: {  	vm15 =	vle.f32 v9, $1.210000040e+00;
	v9 =	vadd.f32 v10, v11  }
0x5f: {  	v10 =	vsel vm15, $0x3F800000, v4  }
0x60: {  	v14 =	vadd.f32 v9, v10;
	_ =	sdelay $0x1  }
0x61: {  	[tilespmem:$0x4A00] =	vst v14  }
.LBB2_9:
0x62: {  	s19 =	sadd.s32 $0x1, s19  }
0x63: {  	p0 =	sne.s32 s19, $0x20  }
.Ltmp6:
0x64: {  	_ = 	snop;
	(pc) =	sbr.rel @!p0 .LBB2_10-.Ltmp6, $2  }
0x65: {  	_ =	sdelay $0x2  }
0x66: {  	s18 =	sadd.s32 $0x100, s18;
	s17 =	sadd.s32 $0x40, s17  }
.LBB2_5:
0x67: {  	v9 =	vperm.xlane v14, v0;
	_ =	sdelay $0x1  }
0x68: {  	v9 =	vmin.f32 v14, v9  }
0x69: {  	v10 =	vperm.xlane v9, v1;
	_ =	sdelay $0x1  }
0x6a: {  	v9 =	vmin.f32 v9, v10  }
0x6b: {  	v10 =	vperm.xlane v9, v2;
	_ =	sdelay $0x1  }
0x6c: {  	v9 =	vmin.f32 v9, v10  }
0x6d: {  	v10 =	vperm.xlane v9, v3;
	_ =	sdelay $0x1  }
0x6e: {  	v9 =	vmin.f32 v9, v10  }
0x6f: {  	(v2sf) =	vpush v9, $0x0;
	_ =	sdelay $0xe  }
0x70: {  	s20 =	spop (v2sf)  }
0x71: {  	p0 =	slt.f32 s20, $2.500000000e+00  }
.Ltmp7:
0x72: {  	_ = 	snop;
	(pc) =	sbr.rel @!p0 .LBB2_9-.Ltmp7, $1  }
0x73: {  	_ =	sdelay $0x3  }
0x74: {  	s20 =	sadd.s32 $0x0, s17;
	s21 =	sand.u32 $0x1E00, s18  }
0x75: {  	s20 =	sand.u32 $0x70, s20;
	s22 =	sshrl.u32 s21, $0x2  }
0x76: {  	s22 =	sor.u32 s20, s22  }
0x77: {  	v10 =	vld [tilespmem:s22+$0x4000]  }
0x78: {  	s20 =	sor.u32 s20, s21  }
0x79: {  	v11 =	vld [tilespmem:s20+$0x2080];
	_ =	sdelay $0x1  }
0x7a: {  	v9 =	vld [tilespmem:s20+$0x2100]  }
0x7b: {  	v17 =	vbroadcast v10, $0x2  }
0x7c: {  	v19 =	vbroadcast v10, $0xD;
	v18 =	vbroadcast v10, $0x0  }
0x7d: {  	v20 =	vbroadcast v10, $0xC;
	v15 =	vbroadcast v11, $0x0  }
0x7e: {  	v13 =	vbroadcast v11, $0xE;
	v21 =	vbroadcast v10, $0x1  }
0x7f: {  	v16 =	vbroadcast v11, $0xC;
	v22 =	vbroadcast v9, $0x2  }
0x80: {  	v12 =	vld [tilespmem:s20+$0x2000];
	v23 =	vbroadcast v10, $0xA;
	v24 =	vbroadcast v10, $0x3  }
0x81: {  	v25 =	vbroadcast v9, $0x4;
	v26 =	vbroadcast v11, $0xD  }
0x82: {  	v28 =	vbroadcast v10, $0x4;
	v49 =	vbroadcast v9, $0x8  }
0x83: {  	v29 =	vbroadcast v10, $0x8;
	v30 =	vbroadcast v10, $0x9  }
0x84: {  	v31 =	vbroadcast v10, $0x5;
	v32 =	vbroadcast v9, $0x9  }
0x85: {  	v33 =	vbroadcast v12, $0x3;
	v34 =	vbroadcast v9, $0xA  }
0x86: {  	v36 =	vbroadcast v11, $0x2;
	v39 =	vbroadcast v12, $0x5  }
0x87: {  	v50 =	vbroadcast v10, $0x6;
	v40 =	vbroadcast v12, $0x0  }
0x88: {  	v41 =	vbroadcast v11, $0x1;
	v43 =	vbroadcast v11, $0x7  }
0x89: {  	v44 =	vbroadcast v9, $0x6;
	v51 =	vbroadcast v11, $0x6  }
0x8a: {  	v45 =	vbroadcast v12, $0x4;
	v46 =	vbroadcast v9, $0x0  }
0x8b: {  	v52 =	vbroadcast v11, $0x3;
	v47 =	vbroadcast v9, $0x3  }
0x8c: {  	v55 =	vbroadcast v12, $0x8;
	v56 =	vbroadcast v9, $0x1  }
0x8d: {  	v57 =	vbroadcast v12, $0x6;
	v58 =	vbroadcast v11, $0x8  }
0x8e: {  	v59 =	vbroadcast v12, $0x2;
	v63 =	vbroadcast v11, $0x9  }
0x8f: {  	v27 =	vmul.f32 v15, v7;
	v15 =	vmul.f32 v26, v7  }
0x90: {  	v35 =	vadd.f32 v17, v6;
	v17 =	vbroadcast v11, $0x4;
	v26 =	vmul.f32 v49, v8  }
0x91: {  	v34 =	vmul.f32 v34, v8;
	v39 =	vmul.f32 v39, v5  }
0x92: {  	v21 =	vadd.f32 v21, v6;
	v36 =	vmul.f32 v36, v7;
	v44 =	vmul.f32 v44, v8  }
0x93: {  	v24 =	vadd.f32 v24, v6;
	v25 =	vmul.f32 v25, v8;
	v45 =	vmul.f32 v45, v5  }
0x94: {  	v28 =	vadd.f32 v28, v6;
	v33 =	vmul.f32 v33, v5;
	v54 =	vmul.f32 v51, v7  }
0x95: {  	v37 =	vadd.f32 v18, v6;
	v40 =	vmul.f32 v40, v5;
	v22 =	vmul.f32 v22, v8  }
0x96: {  	v18 =	vadd.f32 v29, v6;
	v61 =	vmul.f32 v43, v7;
	v62 =	vmul.f32 v59, v5  }
0x97: {  	v31 =	vadd.f32 v31, v6;
	v32 =	vmul.f32 v32, v8;
	v49 =	vbroadcast v12, $0x1  }
0x98: {  	v29 =	vadd.f32 v50, v6;
	v50 =	vbroadcast v9, $0x7;
	v51 =	vbroadcast v12, $0x7  }
0x99: {  	v20 =	vadd.f32 v20, v6;
	v41 =	vmul.f32 v41, v7;
	v59 =	vbroadcast v12, $0x9  }
0x9a: {  	v23 =	vadd.f32 v23, v6;
	v38 =	vmul.f32 v17, v7;
	v17 =	vbroadcast v11, $0x5  }
0x9b: {  	v30 =	vadd.f32 v30, v6;
	v63 =	vmul.f32 v63, v7;
	v16 =	vmul.f32 v16, v7  }
0x9c: {  	v42 =	vmul.f32 v17, v7;
	v17 =	vadd.f32 v19, v6;
	v19 =	vbroadcast v9, $0x5  }
0x9d: {  	v13 =	vmul.f32 v13, v7;
	v27 =	vadd.f32 v27, v40;
	v53 =	vadd.f32 v38, v45  }
0x9e: {  	v45 =	vmul.f32 v56, v8;
	v39 =	vadd.f32 v42, v39;
	v19 =	vmul.f32 v19, v8  }
0x9f: {  	v38 =	vmul.f32 v58, v7;
	v25 =	vadd.f32 v25, v53;
	v42 =	vmul.f32 v55, v5  }
0xa0: {  	v53 =	vbroadcast v11, $0xA;
	v55 =	vmul.f32 v47, v8;
	v19 =	vadd.f32 v19, v39  }
0xa1: {  	v47 =	vbroadcast v11, $0xB;
	v25 =	vadd.f32 v25, v28;
	v39 =	vmul.f32 v52, v7  }
0xa2: {  	v52 =	vmul.f32 v49, v5;
	v49 =	vbroadcast v12, $0xB;
	v19 =	vadd.f32 v19, v31  }
0xa3: {  	v31 =	vmul.f32 v57, v5;
	v33 =	vadd.f32 v39, v33;
	v57 =	vmul.f32 v50, v8  }
0xa4: {  	v50 =	vmul.f32 v47, v7;
	vm0 =	vle.f32 v19, $1.210000040e+00;
	v19 =	vmul.f32 v46, v8  }
0xa5: {  	v60 =	vadd.f32 v54, v31;
	v54 =	vbroadcast v10, $0x7;
	v33 =	vadd.f32 v55, v33  }
0xa6: {  	v46 =	vbroadcast v9, $0xC;
	v48 =	vsel vm0, $0x3F800000, v4;
	vm0 =	vle.f32 v25, $1.210000040e+00  }
0xa7: {  	v25 =	vmul.f32 v53, v7;
	v53 =	vadd.f32 v38, v42;
	v19 =	vadd.f32 v19, v27  }
0xa8: {  	v28 =	vadd.f32 v44, v60;
	v43 =	vsel vm0, $0x3F800000, v4;
	v27 =	vadd.f32 v36, v62  }
0xa9: {  	v58 =	vadd.f32 v54, v6;
	v60 =	vbroadcast v12, $0xA;
	v62 =	vmul.f32 v59, v5  }
0xaa: {  	v24 =	vadd.f32 v33, v24;
	v54 =	vbroadcast v10, $0xB;
	v19 =	vadd.f32 v19, v37  }
0xab: {  	v28 =	vadd.f32 v28, v29;
	v29 =	vmul.f32 v51, v5;
	v44 =	vadd.f32 v63, v62  }
0xac: {  	v22 =	vadd.f32 v22, v27;
	v51 =	vbroadcast v9, $0xB;
	v62 =	vmul.f32 v46, v8  }
0xad: {  	v63 =	vbroadcast v12, $0xE;
	vm0 =	vle.f32 v28, $1.210000040e+00;
	v56 =	vadd.f32 v61, v29  }
0xae: {  	v61 =	vadd.f32 v41, v52;
	v29 =	vmul.f32 v60, v5;
	vm1 =	vle.f32 v19, $1.210000040e+00  }
0xaf: {  	v22 =	vadd.f32 v22, v35;
	v55 =	vmul.f32 v51, v8;
	v28 =	vadd.f32 v57, v56  }
0xb0: {  	v60 =	vbroadcast v12, $0xD;
	v19 =	vadd.f32 v45, v61;
	v25 =	vadd.f32 v25, v29  }
0xb1: {  	v45 =	vsel vm1, $0x3F800000, v4;
	v57 =	vadd.f32 v54, v6;
	v28 =	vadd.f32 v28, v58  }
0xb2: {  	v56 =	vbroadcast v12, $0xC;
	v19 =	vadd.f32 v19, v21;
	v21 =	vadd.f32 v32, v44  }
0xb3: {  	v14 =	vadd.f32 v45, v14;
	v25 =	vadd.f32 v34, v25;
	vm1 =	vle.f32 v28, $1.210000040e+00  }
0xb4: {  	vm2 =	vle.f32 v19, $1.210000040e+00;
	v21 =	vadd.f32 v21, v30;
	v19 =	vsel vm1, $0x3F800000, v4  }
0xb5: {  	v52 =	vsel vm2, $0x3F800000, v4;
	vm2 =	vle.f32 v22, $1.210000040e+00;
	v22 =	vadd.f32 v26, v53  }
0xb6: {  	v26 =	vmul.f32 v56, v5;
	vm3 =	vle.f32 v21, $1.210000040e+00;
	v21 =	vmul.f32 v49, v5  }
0xb7: {  	vm1 =	vle.f32 v24, $1.210000040e+00;
	v24 =	vmul.f32 v60, v5;
	v14 =	vadd.f32 v14, v52  }
0xb8: {  	v59 =	vsel vm2, $0x3F800000, v4;
	v16 =	vadd.f32 v16, v26;
	v21 =	vadd.f32 v50, v21  }
0xb9: {  	v58 =	vbroadcast v9, $0xD;
	v22 =	vadd.f32 v22, v18;
	v14 =	vadd.f32 v14, v59  }
0xba: {  	v61 =	vsel vm1, $0x3F800000, v4;
	v24 =	vadd.f32 v15, v24;
	v21 =	vadd.f32 v55, v21  }
0xbb: {  	v18 =	vmul.f32 v58, v8;
	v16 =	vadd.f32 v62, v16;
	v14 =	vadd.f32 v14, v61  }
0xbc: {  	vm2 =	vle.f32 v22, $1.210000040e+00;
	v22 =	vsel vm0, $0x3F800000, v4;
	v21 =	vadd.f32 v21, v57  }
0xbd: {  	v16 =	vadd.f32 v16, v20;
	v20 =	vadd.f32 v14, v43;
	v14 =	vsel vm3, $0x3F800000, v4  }
0xbe: {  	vm1 =	vle.f32 v21, $1.210000040e+00;
	v21 =	vadd.f32 v25, v23;
	v23 =	vadd.f32 v18, v24  }
0xbf: {  	v18 =	vbroadcast v9, $0xE;
	v20 =	vadd.f32 v20, v48;
	v15 =	vsel vm1, $0x3F800000, v4  }
0xc0: {  	s22 =	simm.s32 $0x10;
	s20 =	sadd.s32 $0x40, s18;
	vm1 =	vle.f32 v16, $1.210000040e+00;
	v16 =	vadd.f32 v23, v17;
	v17 =	vmul.f32 v63, v5  }
.LBB2_7:
0xc1: {  	s21 =	smov.u32 s22  }
0xc2: {  	s23 =	sadd.s32 s22, s17;
	s24 =	sand.u32 $0x1E00, s20;
	vm0 =	vle.f32 v21, $1.210000040e+00;
	v21 =	vbroadcast v10, $0xE;
	v12 =	vbroadcast v12, $0xF;
	s21 =	sadd.s32 $0x10, s22  }
0xc3: {  	p0 =	sne.s32 s22, $0x30;
	v13 =	vadd.f32 v13, v17;
	v17 =	vmul.f32 v18, v8;
	s23 =	sand.u32 $0x70, s23;
	s25 =	sshrl.u32 s24, $0x2;
	v23 =	vsel vm0, $0x3F800000, v4  }
0xc4: {  	v18 =	vadd.f32 v20, v22;
	v20 =	vsel vm1, $0x3F800000, v4;
	v11 =	vbroadcast v11, $0xF;
	s22 =	sor.u32 s23, s24;
	s23 =	sor.u32 s23, s25  }
0xc5: {  	v13 =	vadd.f32 v17, v13;
	v17 =	vadd.f32 v21, v6;
	v21 =	vbroadcast v9, $0xF;
	v22 =	vld [tilespmem:s23+$0x4000]  }
0xc6: {  	v18 =	vadd.f32 v18, v19;
	v19 =	vmul.f32 v12, v5;
	v24 =	vmul.f32 v11, v7;
	v9 =	vld [tilespmem:s22+$0x2100]  }
0xc7: {  	v25 =	vsel vm2, $0x3F800000, v4;
	v26 =	vbroadcast v10, $0xF;
	v13 =	vadd.f32 v13, v17;
	v11 =	vld [tilespmem:s22+$0x2080]  }
0xc8: {  	v17 =	vadd.f32 v18, v25;
	v18 =	vadd.f32 v24, v19;
	v19 =	vmul.f32 v21, v8;
	v12 =	vld [tilespmem:s22+$0x2000]  }
0xc9: {  	vm0 =	vle.f32 v16, $1.210000040e+00;
	v16 =	vadd.f32 v26, v6;
	vm1 =	vle.f32 v13, $1.210000040e+00  }
0xca: {  	v17 =	vadd.f32 v17, v14;
	v21 =	vbroadcast v22, $0x2;
	v24 =	vbroadcast v22, $0xD;
	v10 =	vmovc v22  }
0xcb: {  	v25 =	vsel vm1, $0x3F800000, v4;
	v22 =	vbroadcast v10, $0x0;
	v27 =	vbroadcast v10, $0xC  }
0xcc: {  	v18 =	vadd.f32 v19, v18;
	v26 =	vbroadcast v11, $0x0;
	v13 =	vbroadcast v11, $0xE  }
0xcd: {  	v17 =	vadd.f32 v17, v23;
	v19 =	vbroadcast v10, $0x1;
	v14 =	vbroadcast v11, $0xC  }
0xce: {  	v16 =	vadd.f32 v18, v16;
	v28 =	vbroadcast v9, $0x2;
	v29 =	vbroadcast v10, $0xA  }
0xcf: {  	v18 =	vbroadcast v10, $0x3;
	v15 =	vadd.f32 v17, v15;
	v19 =	vadd.f32 v19, v6  }
0xd0: {  	v30 =	vbroadcast v9, $0x4;
	vm1 =	vle.f32 v16, $1.210000040e+00;
	v17 =	vbroadcast v11, $0xD  }
0xd1: {  	v23 =	vadd.f32 v18, v6;
	v16 =	vadd.f32 v15, v20;
	v31 =	vmul.f32 v26, v7  }
0xd2: {  	v18 =	vbroadcast v10, $0x4;
	v15 =	vmul.f32 v17, v7;
	v17 =	vsel vm0, $0x3F800000, v4  }
0xd3: {  	v20 =	vadd.f32 v21, v6;
	v21 =	vbroadcast v9, $0x8;
	v16 =	vadd.f32 v16, v17  }
0xd4: {  	v33 =	vbroadcast v10, $0x9;
	v32 =	vadd.f32 v18, v6;
	v17 =	vbroadcast v10, $0x8  }
0xd5: {  	v34 =	vbroadcast v9, $0x9;
	v18 =	vbroadcast v10, $0x5;
	v16 =	vadd.f32 v16, v25  }
0xd6: {  	v35 =	vbroadcast v12, $0x3;
	v26 =	vbroadcast v9, $0xA;
	v25 =	vsel vm1, $0x3F800000, v4  }
0xd7: {  	v36 =	vbroadcast v11, $0x4;
	v21 =	vmul.f32 v21, v8;
	v25 =	vadd.f32 v16, v25  }
0xd8: {  	v37 =	vadd.f32 v22, v6;
	v22 =	vbroadcast v11, $0x2;
	v26 =	vmul.f32 v26, v8  }
0xd9: {  	v38 =	vbroadcast v12, $0x5;
	v36 =	vmul.f32 v36, v7;
	v17 =	vadd.f32 v17, v6  }
0xda: {  	v39 =	vbroadcast v10, $0x6;
	v16 =	vbroadcast v11, $0x5  }
0xdb: {  	v41 =	vbroadcast v11, $0x1;
	v40 =	vbroadcast v12, $0x0;
	v42 =	vadd.f32 v18, v6  }
0xdc: {  	v44 =	vbroadcast v11, $0x7;
	v43 =	vmul.f32 v16, v7;
	v16 =	vadd.f32 v24, v6  }
0xdd: {  	v38 =	vmul.f32 v38, v5;
	v18 =	vadd.f32 v27, v6;
	v24 =	vbroadcast v9, $0x5  }
0xde: {  	v39 =	vadd.f32 v39, v6;
	v27 =	vmul.f32 v22, v7;
	v22 =	vbroadcast v9, $0x6  }
0xdf: {  	v38 =	vadd.f32 v43, v38;
	v24 =	vmul.f32 v24, v8;
	v43 =	vbroadcast v11, $0x6  }
0xe0: {  	v45 =	vbroadcast v12, $0x4;
	v46 =	vmul.f32 v22, v8;
	v22 =	vadd.f32 v29, v6  }
0xe1: {  	v30 =	vmul.f32 v30, v8;
	v29 =	vbroadcast v9, $0x0;
	v24 =	vadd.f32 v24, v38  }
0xe2: {  	v33 =	vadd.f32 v33, v6;
	v45 =	vmul.f32 v45, v5;
	v38 =	vbroadcast v11, $0x3  }
0xe3: {  	v47 =	vbroadcast v9, $0x3;
	v35 =	vmul.f32 v35, v5;
	v24 =	vadd.f32 v24, v42  }
0xe4: {  	v36 =	vadd.f32 v36, v45;
	v42 =	vmul.f32 v43, v7;
	v43 =	vbroadcast v12, $0x8  }
0xe5: {  	v40 =	vmul.f32 v40, v5;
	v45 =	vbroadcast v9, $0x1;
	vm0 =	vle.f32 v24, $1.210000040e+00  }
0xe6: {  	v30 =	vadd.f32 v30, v36;
	v36 =	vbroadcast v12, $0x6;
	v29 =	vmul.f32 v29, v8  }
0xe7: {  	v31 =	vadd.f32 v31, v40;
	v40 =	vbroadcast v11, $0x8;
	v43 =	vmul.f32 v43, v5  }
0xe8: {  	v48 =	vbroadcast v12, $0x2;
	v36 =	vmul.f32 v36, v5;
	v24 =	vsel vm0, $0x3F800000, v4  }
0xe9: {  	v28 =	vmul.f32 v28, v8;
	v45 =	vmul.f32 v45, v8;
	v30 =	vadd.f32 v30, v32  }
0xea: {  	v40 =	vmul.f32 v40, v7;
	v32 =	vadd.f32 v42, v36;
	v36 =	vmul.f32 v44, v7  }
0xeb: {  	v29 =	vadd.f32 v29, v31;
	v31 =	vmul.f32 v48, v5;
	v38 =	vmul.f32 v38, v7  }
0xec: {  	v34 =	vmul.f32 v34, v8;
	v42 =	vbroadcast v11, $0x9;
	v32 =	vadd.f32 v46, v32  }
0xed: {  	v44 =	vbroadcast v12, $0x1;
	v35 =	vadd.f32 v38, v35;
	v38 =	vbroadcast v9, $0x7  }
0xee: {  	v29 =	vadd.f32 v29, v37;
	v37 =	vbroadcast v12, $0x7;
	v32 =	vadd.f32 v32, v39  }
0xef: {  	vm0 =	vle.f32 v30, $1.210000040e+00;
	v30 =	vbroadcast v11, $0xA;
	v39 =	vmul.f32 v44, v5  }
0xf0: {  	v37 =	vmul.f32 v37, v5;
	v46 =	vbroadcast v10, $0x7;
	v44 =	vsel vm0, $0x3F800000, v4  }
0xf1: {  	v41 =	vmul.f32 v41, v7;
	v27 =	vadd.f32 v27, v31;
	v31 =	vmul.f32 v47, v8  }
0xf2: {  	vm0 =	vle.f32 v32, $1.210000040e+00;
	v32 =	vadd.f32 v36, v37;
	v36 =	vmul.f32 v38, v8  }
0xf3: {  	v30 =	vmul.f32 v30, v7;
	v37 =	vadd.f32 v46, v6;
	v38 =	vbroadcast v12, $0x9  }
0xf4: {  	v31 =	vadd.f32 v31, v35;
	v35 =	vbroadcast v12, $0xA;
	v32 =	vadd.f32 v36, v32  }
0xf5: {  	v36 =	vadd.f32 v41, v39;
	v38 =	vmul.f32 v38, v5;
	v39 =	vmul.f32 v42, v7  }
0xf6: {  	v23 =	vadd.f32 v31, v23;
	v31 =	vadd.f32 v32, v37;
	v32 =	vmul.f32 v35, v5  }
0xf7: {  	vm1 =	vle.f32 v29, $1.210000040e+00;
	v29 =	vadd.f32 v45, v36;
	v35 =	vadd.f32 v39, v38  }
0xf8: {  	v36 =	vsel vm1, $0x3F800000, v4;
	vm1 =	vle.f32 v31, $1.210000040e+00;
	v30 =	vadd.f32 v30, v32  }
0xf9: {  	v19 =	vadd.f32 v29, v19;
	v29 =	vadd.f32 v34, v35;
	v31 =	vbroadcast v9, $0xC  }
0xfa: {  	v25 =	vadd.f32 v36, v25;
	v26 =	vadd.f32 v26, v30;
	v30 =	vbroadcast v11, $0xB  }
0xfb: {  	v27 =	vadd.f32 v28, v27;
	vm2 =	vle.f32 v19, $1.210000040e+00;
	v19 =	vsel vm1, $0x3F800000, v4  }
0xfc: {  	vm3 =	vle.f32 v23, $1.210000040e+00;
	v23 =	vbroadcast v12, $0xB;
	v28 =	vmul.f32 v30, v7  }
0xfd: {  	v20 =	vadd.f32 v27, v20;
	v27 =	vadd.f32 v29, v33;
	v29 =	vbroadcast v9, $0xB  }
0xfe: {  	v32 =	vadd.f32 v40, v43;
	v33 =	vbroadcast v10, $0xB;
	v30 =	vsel vm2, $0x3F800000, v4  }
0xff: {  	vm2 =	vle.f32 v20, $1.210000040e+00;
	vm1 =	vle.f32 v27, $1.210000040e+00;
	v20 =	vmul.f32 v23, v5  }
0x100: {  	v21 =	vadd.f32 v21, v32;
	v23 =	vmul.f32 v29, v8;
	v27 =	vbroadcast v12, $0xC  }
0x101: {  	v29 =	vbroadcast v9, $0xD;
	v20 =	vadd.f32 v28, v20;
	v28 =	vadd.f32 v33, v6  }
0x102: {  	v14 =	vmul.f32 v14, v7;
	v32 =	vsel vm2, $0x3F800000, v4;
	v27 =	vmul.f32 v27, v5  }
0x103: {  	v25 =	vadd.f32 v25, v30;
	v20 =	vadd.f32 v23, v20;
	v23 =	vbroadcast v12, $0xD  }
0x104: {  	v30 =	vsel vm3, $0x3F800000, v4;
	v14 =	vadd.f32 v14, v27;
	v27 =	vmul.f32 v31, v8  }
0x105: {  	v25 =	vadd.f32 v25, v32;
	v20 =	vadd.f32 v20, v28;
	v23 =	vmul.f32 v23, v5  }
0x106: {  	v17 =	vadd.f32 v21, v17;
	v14 =	vadd.f32 v27, v14;
	v27 =	vmul.f32 v29, v8  }
0x107: {  	v25 =	vadd.f32 v25, v30;
	vm2 =	vle.f32 v20, $1.210000040e+00;
	v20 =	vadd.f32 v15, v23  }
.Ltmp8:
0x108: {  	v21 =	vadd.f32 v26, v22;
	v18 =	vadd.f32 v14, v18;
	v15 =	vsel vm2, $0x3F800000, v4;
	(pc) =	sbr.rel @p0 .LBB2_7-.Ltmp8, $4  }
0x109: {  	v22 =	vadd.f32 v25, v44;
	v14 =	vsel vm1, $0x3F800000, v4;
	v23 =	vadd.f32 v27, v20  }
0x10a: {  	v25 =	vbroadcast v12, $0xE;
	vm1 =	vle.f32 v18, $1.210000040e+00;
	v18 =	vbroadcast v9, $0xE  }
0x10b: {  	vm2 =	vle.f32 v17, $1.210000040e+00;
	v20 =	vadd.f32 v22, v24;
	v16 =	vadd.f32 v23, v16  }
0x10c: {  	s20 =	sadd.s32 $0x40, s20;
	s22 =	smov.u32 s21;
	v13 =	vmul.f32 v13, v7;
	v17 =	vmul.f32 v25, v5;
	v22 =	vsel vm0, $0x3F800000, v4  }
.Ltmp9:
0x10d: {  	_ = 	snop;
	(pc) =	sbr.rel .LBB2_8-.Ltmp9, $1  }
0x10e: {  	_ =	sdelay $0x3  }
.LBB2_12:
0x10f: {  	_ =	sfence.sel $0x180000  }
0x110: {  	[bflag:$0x0] =	sbarrier.arrive $0xFFFF  }
0x111: {  	p0 =	sne.s32 s2, $0x0;
	_ =	strace $0x9000004A  }
0x112: {  	s0 =	sadd.s32 @!p0 $0x100000, s0;
	[bflag:$0x2] =	sbarrier.arrive $0xFFFF  }
0x113: {  	[sflag:s0] =	ssyncadd.tile.s32 @!p0 $0x1;
	_ =	shalt  }
.Lfunc_end2:
_tile_overlayer_lowered:
.L_overlay_start_2:
0x114: {  	(tag) =	ssettag $0x2  }
0x115: {  	s0 =	rddreg [dreg:$0x0];
	s2 =	stileid.u32  }
0x116: {  	s1 =	rddreg [dreg:$0x1];
	p0 =	sne.s32 s2, $0x0  }
0x117: {  	s3 =	rddreg [dreg:$0x2];
	[bflag:$0x3] =	sbarrier.arrive $0xFFFF;
	s2 =	simm.s32 @!p0 $0x1C01  }
0x118: {  	[timem:s3], [sflag:s2] =	dma.local @!p0 [hbm:s0], s1  }
0x119: {  	s0 =	simm.s32 @!p0 $0x1  }
0x11a: {  	_ =	swait.ge @!p0 [sflag:s0], s1  }
0x11b: {  	s1 =	ssub.s32 @!p0 $0x0, s1;
	[sflag:s0] =	ssyncset.done @!p0 $0x0  }
0x11c: {  	[sflag:s0] =	ssyncadd.s32 @!p0 s1  }
0x11d: {  	[bflag:$0x3] =	sbarrier.arrive $0xFFFF  }
0x11e: {  	_ =	shalt  }

</sc_bundles>
